<compile_context>
chip_gen: v7x
topology: tpu7x:2x2x1
jax: 0.10.2.dev20260603
libtpu: 0.0.44.dev20260713+nightly
codegen_flags: <defaults>
</compile_context>

<pallas_src>
import functools

import jax
import jax.numpy as jnp
from jax import lax
from jax.experimental import pallas as pl
from jax.experimental.pallas import tpu as pltpu
from jax.experimental.pallas import tpu_sc as plsc

_L = 16
_UNROLL = 8
_G = 2
_SC_ROWS = 2048



def _rcumsum_rows(in_ref, out_ref, n):
    nblocks = n // (_L * _UNROLL)
    lane15 = jnp.full((_L, 1), _L - 1, dtype=jnp.int32)
    bcast_last = functools.partial(
        lax.gather,
        dimension_numbers=lax.GatherDimensionNumbers(
            offset_dims=(), collapsed_slice_dims=(0,), start_index_map=(0,)),
        slice_sizes=(1,),
        mode=lax.GatherScatterMode.PROMISE_IN_BOUNDS,
    )

    for ri in range(_G):
        def blk_body(b, carry_vec):
            base = (nblocks - 1 - b) * _UNROLL
            vs, cums, tots = [], [], []
            for u in range(_UNROLL):
                v = in_ref[ri, pl.ds((base + u) * _L, _L)]
                c = plsc.cumsum(v)
                vs.append(v)
                cums.append(c)
                tots.append(bcast_last(c, lane15))
            psuf = [None] * _UNROLL
            acc = None
            for u in reversed(range(_UNROLL)):
                psuf[u] = acc
                acc = tots[u] if acc is None else acc + tots[u]
            for u in range(_UNROLL):
                local = tots[u] - cums[u] + vs[u]
                if psuf[u] is not None:
                    local = local + psuf[u]
                out_ref[ri, pl.ds((base + u) * _L, _L)] = carry_vec + local
            return carry_vec + acc

        lax.fori_loop(0, nblocks, blk_body, jnp.zeros((_L,), jnp.float32))


def _sc_body(x_hbm, o_hbm, in_a, in_b, out_a, out_b, sia, sib, soa, sob,
             *, rows_per_worker, n):
    wid = lax.axis_index("s") * 2 + lax.axis_index("c")
    row0 = wid * rows_per_worker
    ngroups = rows_per_worker // _G
    npairs = ngroups // 2

    def copy_in(buf, sem, g):
        return pltpu.make_async_copy(
            x_hbm.at[pl.ds(row0 + g * _G, _G)], buf, sem)

    def copy_out(buf, sem, g):
        return pltpu.make_async_copy(
            buf, o_hbm.at[pl.ds(row0 + g * _G, _G)], sem)

    copy_in(in_a, sia, 0).start()

    def pair_body(k, _):
        ga = 2 * k
        copy_in(in_a, sia, ga).wait()
        copy_in(in_b, sib, ga + 1).start()

        @pl.when(k > 0)
        def _():
            copy_out(out_a, soa, ga - 2).wait()

        _rcumsum_rows(in_a, out_a, n)
        copy_out(out_a, soa, ga).start()

        copy_in(in_b, sib, ga + 1).wait()

        @pl.when(k < npairs - 1)
        def _():
            copy_in(in_a, sia, ga + 2).start()

        @pl.when(k > 0)
        def _():
            copy_out(out_b, sob, ga - 1).wait()

        _rcumsum_rows(in_b, out_b, n)
        copy_out(out_b, sob, ga + 1).start()
        return jnp.int32(0)

    lax.fori_loop(0, npairs, pair_body, jnp.int32(0))
    copy_out(out_a, soa, ngroups - 2).wait()
    copy_out(out_b, sob, ngroups - 1).wait()


def _sc_rcumsum(x, sc_rows):
    m, n = x.shape
    info = plsc.get_sparse_core_info()
    nw = info.num_cores * info.num_subcores
    rows_per_worker = sc_rows // nw
    mesh = plsc.VectorSubcoreMesh(core_axis_name="c", subcore_axis_name="s")
    buf = pltpu.VMEM((_G, n), jnp.float32)
    sc_k = functools.partial(
        pl.kernel,
        out_type=jax.ShapeDtypeStruct((m, n), x.dtype),
        mesh=mesh,
        scratch_types=[buf, buf, buf, buf,
                       pltpu.SemaphoreType.DMA, pltpu.SemaphoreType.DMA,
                       pltpu.SemaphoreType.DMA, pltpu.SemaphoreType.DMA],
        compiler_params=pltpu.CompilerParams(needs_layout_passes=False),
    )(functools.partial(_sc_body, rows_per_worker=rows_per_worker, n=n))
    return sc_k(x)



def _tc_kernel(x_ref, part_ref, o_ref, carry_ref, *, W):
    del part_ref
    j = pl.program_id(0)

    @pl.when(j == 0)
    def _():
        carry_ref[...] = jnp.zeros_like(carry_ref)

    x = x_ref[...]
    rows = jax.lax.broadcasted_iota(jnp.int32, (W, W), 0)
    cols = jax.lax.broadcasted_iota(jnp.int32, (W, W), 1)
    tri = (rows >= cols).astype(jnp.float32)
    rc = jax.lax.dot_general(
        x, tri, (((1,), (0,)), ((), ())),
        preferred_element_type=jnp.float32,
        precision=jax.lax.Precision.DEFAULT,
    )
    o_ref[...] = rc + carry_ref[...]
    carry_ref[...] = carry_ref[...] + rc[:, 0:1]


def _tc_fill_bottom(x, partial, row_start):
    m, n = x.shape
    rows = m - row_start
    W = 512
    ncb = n // W
    rb = row_start // rows
    return pl.pallas_call(
        functools.partial(_tc_kernel, W=W),
        grid=(ncb,),
        in_specs=[
            pl.BlockSpec((rows, W), lambda j: (rb, ncb - 1 - j)),
            pl.BlockSpec(memory_space=pl.ANY),
        ],
        out_specs=pl.BlockSpec((rows, W), lambda j: (rb, ncb - 1 - j)),
        out_shape=jax.ShapeDtypeStruct((m, n), x.dtype),
        scratch_shapes=[pltpu.VMEM((rows, 1), jnp.float32)],
        input_output_aliases={1: 0},
    )(x, partial)


def kernel(x):
    partial = _sc_rcumsum(x, _SC_ROWS)
    return _tc_fill_bottom(x, partial, _SC_ROWS)

# --- scband reference (transcript-rebuilt; emitter-appended) ---
"""Pipeline reference for scband-model-new-13211319402756 (READ-ONLY COPY).

The authoritative reference and input builder live on the scoring server;
editing this copy changes nothing except your own understanding.
"""

import jax, jax.numpy as jnp
import numpy as np


def setup_inputs(seed: int = 0) -> dict:
    key = jax.random.key(seed)
    x = jax.random.normal(key, (4096, 8192), dtype=jnp.float32)
    return {"x": x}


def reference(x):
    # Reverse cumulative sum along dim=1, matching the Triton kernel which
    # accumulates from the last element backwards for each row.
    return jax.lax.cumsum(x, axis=1, reverse=True)

if __name__ == "__main__":
    import jax
    _d = setup_inputs()
    print(jax.jit(kernel)(*tuple(_d.values())))

</pallas_src>

<mosaic_0001>
#map = affine_map<(d0, d1) -> (0, 0)>
module attributes {stable_mosaic.version = 14 : i64} {
  func.func @_sc_body(%arg0: i32, %arg1: i32, %arg2: memref<4096x8192xf32, #tpu.memory_space<hbm>>, %arg3: memref<4096x8192xf32, #tpu.memory_space<hbm>>, %arg4: memref<2x8192xf32, #tpu.memory_space<vmem>>, %arg5: memref<2x8192xf32, #tpu.memory_space<vmem>>, %arg6: memref<2x8192xf32, #tpu.memory_space<vmem>>, %arg7: memref<2x8192xf32, #tpu.memory_space<vmem>>, %arg8: memref<!tpu.dma_semaphore, #tpu.memory_space<semaphore_mem>>, %arg9: memref<!tpu.dma_semaphore, #tpu.memory_space<semaphore_mem>>, %arg10: memref<!tpu.dma_semaphore, #tpu.memory_space<semaphore_mem>>, %arg11: memref<!tpu.dma_semaphore, #tpu.memory_space<semaphore_mem>>) attributes {dimension_semantics = [#tpu.dimension_semantics<core_parallel>, #tpu.dimension_semantics<subcore_parallel>], iteration_bounds = array<i64: 2, 16>, scalar_prefetch = 0 : i64, scratch_operands = 8 : i64, tpu.core_type = #tpu.core_type<sc_vector_subcore>, window_params = [{transform_indices = #map}, {transform_indices = #map}]} {
    %mul3A = arith.constant 2 : i32
    %mul3A_0 = arith.muli %arg1, %mul3A : i32
    %add3A = arith.addi %mul3A_0, %arg0 : i32
    %mul3A_1 = arith.constant 64 : i32
    %mul3A_2 = arith.muli %add3A, %mul3A_1 : i32
    %add3A_3 = arith.constant 0 : i32
    %add3A_4 = arith.addi %mul3A_2, %add3A_3 : i32
    %dma_start3A = arith.constant 0 : i32
    %dma_start3A_5 = tpu.memref_slice %arg2[%add3A_4, %dma_start3A] : memref<4096x8192xf32, #tpu.memory_space<hbm>> -> memref<2x8192xf32, #tpu.memory_space<hbm>>
    %dma_start3A_6 = arith.constant 0 : i32
    %dma_start3A_7 = tpu.memref_slice %arg2[%add3A_4, %dma_start3A_6] : memref<4096x8192xf32, #tpu.memory_space<hbm>> -> memref<2x8192xf32, #tpu.memory_space<hbm>>
    tpu.enqueue_dma source(%dma_start3A_7 : memref<2x8192xf32, #tpu.memory_space<hbm>>) target(%arg4 : memref<2x8192xf32, #tpu.memory_space<vmem>>) target_semaphore(%arg8 : memref<!tpu.dma_semaphore, #tpu.memory_space<semaphore_mem>>)
    %scan3A = arith.constant 0 : i32
    %scan3A_8 = arith.constant 0 : i32
    %scan3A_9 = arith.constant 16 : i32
    %scan3A_10 = arith.addi %scan3A_8, %scan3A_9 : i32
    %scan3A_11 = arith.constant 1 : i32
    %scan3A_12 = scf.for %scan3A_25 = %scan3A_8 to %scan3A_10 step %scan3A_11 iter_args(%scan3A_26 = %scan3A) -> (i32)  : i32 {
      %mul3A_27 = arith.constant 2 : i32
      %mul3A_28 = arith.muli %mul3A_27, %scan3A_25 : i32
      %mul3A_29 = arith.constant 2 : i32
      %mul3A_30 = arith.muli %mul3A_28, %mul3A_29 : i32
      %add3A_31 = arith.addi %mul3A_2, %mul3A_30 : i32
      %dma_wait3A_32 = arith.constant 0 : i32
      %dma_wait3A_33 = tpu.memref_slice %arg2[%add3A_31, %dma_wait3A_32] : memref<4096x8192xf32, #tpu.memory_space<hbm>> -> memref<2x8192xf32, #tpu.memory_space<hbm>>
      %dma_wait3A_34 = arith.constant 0 : i32
      %dma_wait3A_35 = tpu.memref_slice %arg2[%add3A_31, %dma_wait3A_34] : memref<4096x8192xf32, #tpu.memory_space<hbm>> -> memref<2x8192xf32, #tpu.memory_space<hbm>>
      tpu.wait_dma2 semaphore(%arg8 : memref<!tpu.dma_semaphore, #tpu.memory_space<semaphore_mem>>) src(%dma_wait3A_35 : memref<2x8192xf32, #tpu.memory_space<hbm>>) dst(%arg4 : memref<2x8192xf32, #tpu.memory_space<vmem>>)
      %add3A_36 = arith.constant 1 : i32
      %add3A_37 = arith.addi %mul3A_28, %add3A_36 : i32
      %mul3A_38 = arith.constant 2 : i32
      %mul3A_39 = arith.muli %add3A_37, %mul3A_38 : i32
      %add3A_40 = arith.addi %mul3A_2, %mul3A_39 : i32
      %dma_start3A_41 = arith.constant 0 : i32
      %dma_start3A_42 = tpu.memref_slice %arg2[%add3A_40, %dma_start3A_41] : memref<4096x8192xf32, #tpu.memory_space<hbm>> -> memref<2x8192xf32, #tpu.memory_space<hbm>>
      %dma_start3A_43 = arith.constant 0 : i32
      %dma_start3A_44 = tpu.memref_slice %arg2[%add3A_40, %dma_start3A_43] : memref<4096x8192xf32, #tpu.memory_space<hbm>> -> memref<2x8192xf32, #tpu.memory_space<hbm>>
      tpu.enqueue_dma source(%dma_start3A_44 : memref<2x8192xf32, #tpu.memory_space<hbm>>) target(%arg5 : memref<2x8192xf32, #tpu.memory_space<vmem>>) target_semaphore(%arg9 : memref<!tpu.dma_semaphore, #tpu.memory_space<semaphore_mem>>)
      %gt3A = arith.constant 0 : i32
      %gt3A_45 = arith.cmpi sgt, %scan3A_25, %gt3A : i32
      %convert_element_type3A = arith.extui %gt3A_45 : i1 to i32
      %cond3A = arith.constant 0 : i32
      %cond3A_46 = arith.cmpi ne, %convert_element_type3A, %cond3A : i32
      scf.if %cond3A_46 {
        %sub3A = arith.constant 2 : i32
        %sub3A_117 = arith.subi %mul3A_28, %sub3A : i32
        %mul3A_118 = arith.constant 2 : i32
        %mul3A_119 = arith.muli %sub3A_117, %mul3A_118 : i32
        %add3A_120 = arith.addi %mul3A_2, %mul3A_119 : i32
        %dma_wait3A_121 = arith.constant 0 : i32
        %dma_wait3A_122 = tpu.memref_slice %arg3[%add3A_120, %dma_wait3A_121] : memref<4096x8192xf32, #tpu.memory_space<hbm>> -> memref<2x8192xf32, #tpu.memory_space<hbm>>
        %dma_wait3A_123 = arith.constant 0 : i32
        %dma_wait3A_124 = tpu.memref_slice %arg3[%add3A_120, %dma_wait3A_123] : memref<4096x8192xf32, #tpu.memory_space<hbm>> -> memref<2x8192xf32, #tpu.memory_space<hbm>>
        tpu.wait_dma2 semaphore(%arg10 : memref<!tpu.dma_semaphore, #tpu.memory_space<semaphore_mem>>) src(%arg6 : memref<2x8192xf32, #tpu.memory_space<vmem>>) dst(%dma_wait3A_124 : memref<2x8192xf32, #tpu.memory_space<hbm>>)
      } else {
      }
      %broadcast_in_dim3A = arith.constant 15 : i32
      %broadcast_in_dim3A_47 = vector.broadcast %broadcast_in_dim3A : i32 to vector<16x1xi32>
      %broadcast_in_dim3A_48 = arith.constant 0.000000e+00 : f32
      %broadcast_in_dim3A_49 = vector.broadcast %broadcast_in_dim3A_48 : f32 to vector<16xf32>
      %scan3A_50 = arith.constant 0 : i32
      %scan3A_51 = arith.constant 64 : i32
      %scan3A_52 = arith.addi %scan3A_50, %scan3A_51 : i32
      %scan3A_53 = arith.constant 1 : i32
      %scan3A_54 = scf.for %scan3A_117 = %scan3A_50 to %scan3A_52 step %scan3A_53 iter_args(%scan3A_118 = %broadcast_in_dim3A_49) -> (vector<16xf32>)  : i32 {
        %sub3A = arith.constant 63 : i32
        %sub3A_119 = arith.subi %sub3A, %scan3A_117 : i32
        %mul3A_120 = arith.constant 8 : i32
        %mul3A_121 = arith.muli %sub3A_119, %mul3A_120 : i32
        %add3A_122 = arith.constant 0 : i32
        %add3A_123 = arith.addi %mul3A_121, %add3A_122 : i32
        %mul3A_124 = arith.constant 16 : i32
        %mul3A_125 = arith.muli %add3A_123, %mul3A_124 : i32
        %get3A = arith.constant 0 : i32
        %get3A_126 = arith.index_cast %get3A : i32 to index
        %get3A_127 = arith.index_cast %mul3A_125 : i32 to index
        %get3A_128 = tpu.vector_load %arg4[%get3A_126, %get3A_127] {strides = array<i32>} : memref<2x8192xf32, #tpu.memory_space<vmem>>, vector<16xf32>,
        %broadcast_in_dim3A_129 = arith.constant true
        %broadcast_in_dim3A_130 = vector.broadcast %broadcast_in_dim3A_129 : i1 to vector<16xi1>
        %masked_cumsum3A = tpu.scan <sum>, %get3A_128 masked %broadcast_in_dim3A_130 : vector<16xf32>, vector<16xi1> -> vector<16xf32>
        %gather3A = vector.shape_cast %broadcast_in_dim3A_47 : vector<16x1xi32> to vector<16xi32>
        %gather3A_131 = tpu.dynamic_gather %masked_cumsum3A[%gather3A] in [0] : vector<16xf32>, vector<16xi32> -> vector<16xf32>
        %add3A_132 = arith.constant 1 : i32
        %add3A_133 = arith.addi %mul3A_121, %add3A_132 : i32
        %mul3A_134 = arith.constant 16 : i32
        %mul3A_135 = arith.muli %add3A_133, %mul3A_134 : i32
        %get3A_136 = arith.constant 0 : i32
        %get3A_137 = arith.index_cast %get3A_136 : i32 to index
        %get3A_138 = arith.index_cast %mul3A_135 : i32 to index
        %get3A_139 = tpu.vector_load %arg4[%get3A_137, %get3A_138] {strides = array<i32>} : memref<2x8192xf32, #tpu.memory_space<vmem>>, vector<16xf32>,
        %broadcast_in_dim3A_140 = arith.constant true
        %broadcast_in_dim3A_141 = vector.broadcast %broadcast_in_dim3A_140 : i1 to vector<16xi1>
        %masked_cumsum3A_142 = tpu.scan <sum>, %get3A_139 masked %broadcast_in_dim3A_141 : vector<16xf32>, vector<16xi1> -> vector<16xf32>
        %gather3A_143 = vector.shape_cast %broadcast_in_dim3A_47 : vector<16x1xi32> to vector<16xi32>
        %gather3A_144 = tpu.dynamic_gather %masked_cumsum3A_142[%gather3A_143] in [0] : vector<16xf32>, vector<16xi32> -> vector<16xf32>
        %add3A_145 = arith.constant 2 : i32
        %add3A_146 = arith.addi %mul3A_121, %add3A_145 : i32
        %mul3A_147 = arith.constant 16 : i32
        %mul3A_148 = arith.muli %add3A_146, %mul3A_147 : i32
        %get3A_149 = arith.constant 0 : i32
        %get3A_150 = arith.index_cast %get3A_149 : i32 to index
        %get3A_151 = arith.index_cast %mul3A_148 : i32 to index
        %get3A_152 = tpu.vector_load %arg4[%get3A_150, %get3A_151] {strides = array<i32>} : memref<2x8192xf32, #tpu.memory_space<vmem>>, vector<16xf32>,
        %broadcast_in_dim3A_153 = arith.constant true
        %broadcast_in_dim3A_154 = vector.broadcast %broadcast_in_dim3A_153 : i1 to vector<16xi1>
        %masked_cumsum3A_155 = tpu.scan <sum>, %get3A_152 masked %broadcast_in_dim3A_154 : vector<16xf32>, vector<16xi1> -> vector<16xf32>
        %gather3A_156 = vector.shape_cast %broadcast_in_dim3A_47 : vector<16x1xi32> to vector<16xi32>
        %gather3A_157 = tpu.dynamic_gather %masked_cumsum3A_155[%gather3A_156] in [0] : vector<16xf32>, vector<16xi32> -> vector<16xf32>
        %add3A_158 = arith.constant 3 : i32
        %add3A_159 = arith.addi %mul3A_121, %add3A_158 : i32
        %mul3A_160 = arith.constant 16 : i32
        %mul3A_161 = arith.muli %add3A_159, %mul3A_160 : i32
        %get3A_162 = arith.constant 0 : i32
        %get3A_163 = arith.index_cast %get3A_162 : i32 to index
        %get3A_164 = arith.index_cast %mul3A_161 : i32 to index
        %get3A_165 = tpu.vector_load %arg4[%get3A_163, %get3A_164] {strides = array<i32>} : memref<2x8192xf32, #tpu.memory_space<vmem>>, vector<16xf32>,
        %broadcast_in_dim3A_166 = arith.constant true
        %broadcast_in_dim3A_167 = vector.broadcast %broadcast_in_dim3A_166 : i1 to vector<16xi1>
        %masked_cumsum3A_168 = tpu.scan <sum>, %get3A_165 masked %broadcast_in_dim3A_167 : vector<16xf32>, vector<16xi1> -> vector<16xf32>
        %gather3A_169 = vector.shape_cast %broadcast_in_dim3A_47 : vector<16x1xi32> to vector<16xi32>
        %gather3A_170 = tpu.dynamic_gather %masked_cumsum3A_168[%gather3A_169] in [0] : vector<16xf32>, vector<16xi32> -> vector<16xf32>
        %add3A_171 = arith.constant 4 : i32
        %add3A_172 = arith.addi %mul3A_121, %add3A_171 : i32
        %mul3A_173 = arith.constant 16 : i32
        %mul3A_174 = arith.muli %add3A_172, %mul3A_173 : i32
        %get3A_175 = arith.constant 0 : i32
        %get3A_176 = arith.index_cast %get3A_175 : i32 to index
        %get3A_177 = arith.index_cast %mul3A_174 : i32 to index
        %get3A_178 = tpu.vector_load %arg4[%get3A_176, %get3A_177] {strides = array<i32>} : memref<2x8192xf32, #tpu.memory_space<vmem>>, vector<16xf32>,
        %broadcast_in_dim3A_179 = arith.constant true
        %broadcast_in_dim3A_180 = vector.broadcast %broadcast_in_dim3A_179 : i1 to vector<16xi1>
        %masked_cumsum3A_181 = tpu.scan <sum>, %get3A_178 masked %broadcast_in_dim3A_180 : vector<16xf32>, vector<16xi1> -> vector<16xf32>
        %gather3A_182 = vector.shape_cast %broadcast_in_dim3A_47 : vector<16x1xi32> to vector<16xi32>
        %gather3A_183 = tpu.dynamic_gather %masked_cumsum3A_181[%gather3A_182] in [0] : vector<16xf32>, vector<16xi32> -> vector<16xf32>
        %add3A_184 = arith.constant 5 : i32
        %add3A_185 = arith.addi %mul3A_121, %add3A_184 : i32
        %mul3A_186 = arith.constant 16 : i32
        %mul3A_187 = arith.muli %add3A_185, %mul3A_186 : i32
        %get3A_188 = arith.constant 0 : i32
        %get3A_189 = arith.index_cast %get3A_188 : i32 to index
        %get3A_190 = arith.index_cast %mul3A_187 : i32 to index
        %get3A_191 = tpu.vector_load %arg4[%get3A_189, %get3A_190] {strides = array<i32>} : memref<2x8192xf32, #tpu.memory_space<vmem>>, vector<16xf32>,
        %broadcast_in_dim3A_192 = arith.constant true
        %broadcast_in_dim3A_193 = vector.broadcast %broadcast_in_dim3A_192 : i1 to vector<16xi1>
        %masked_cumsum3A_194 = tpu.scan <sum>, %get3A_191 masked %broadcast_in_dim3A_193 : vector<16xf32>, vector<16xi1> -> vector<16xf32>
        %gather3A_195 = vector.shape_cast %broadcast_in_dim3A_47 : vector<16x1xi32> to vector<16xi32>
        %gather3A_196 = tpu.dynamic_gather %masked_cumsum3A_194[%gather3A_195] in [0] : vector<16xf32>, vector<16xi32> -> vector<16xf32>
        %add3A_197 = arith.constant 6 : i32
        %add3A_198 = arith.addi %mul3A_121, %add3A_197 : i32
        %mul3A_199 = arith.constant 16 : i32
        %mul3A_200 = arith.muli %add3A_198, %mul3A_199 : i32
        %get3A_201 = arith.constant 0 : i32
        %get3A_202 = arith.index_cast %get3A_201 : i32 to index
        %get3A_203 = arith.index_cast %mul3A_200 : i32 to index
        %get3A_204 = tpu.vector_load %arg4[%get3A_202, %get3A_203] {strides = array<i32>} : memref<2x8192xf32, #tpu.memory_space<vmem>>, vector<16xf32>,
        %broadcast_in_dim3A_205 = arith.constant true
        %broadcast_in_dim3A_206 = vector.broadcast %broadcast_in_dim3A_205 : i1 to vector<16xi1>
        %masked_cumsum3A_207 = tpu.scan <sum>, %get3A_204 masked %broadcast_in_dim3A_206 : vector<16xf32>, vector<16xi1> -> vector<16xf32>
        %gather3A_208 = vector.shape_cast %broadcast_in_dim3A_47 : vector<16x1xi32> to vector<16xi32>
        %gather3A_209 = tpu.dynamic_gather %masked_cumsum3A_207[%gather3A_208] in [0] : vector<16xf32>, vector<16xi32> -> vector<16xf32>
        %add3A_210 = arith.constant 7 : i32
        %add3A_211 = arith.addi %mul3A_121, %add3A_210 : i32
        %mul3A_212 = arith.constant 16 : i32
        %mul3A_213 = arith.muli %add3A_211, %mul3A_212 : i32
        %get3A_214 = arith.constant 0 : i32
        %get3A_215 = arith.index_cast %get3A_214 : i32 to index
        %get3A_216 = arith.index_cast %mul3A_213 : i32 to index
        %get3A_217 = tpu.vector_load %arg4[%get3A_215, %get3A_216] {strides = array<i32>} : memref<2x8192xf32, #tpu.memory_space<vmem>>, vector<16xf32>,
        %broadcast_in_dim3A_218 = arith.constant true
        %broadcast_in_dim3A_219 = vector.broadcast %broadcast_in_dim3A_218 : i1 to vector<16xi1>
        %masked_cumsum3A_220 = tpu.scan <sum>, %get3A_217 masked %broadcast_in_dim3A_219 : vector<16xf32>, vector<16xi1> -> vector<16xf32>
        %gather3A_221 = vector.shape_cast %broadcast_in_dim3A_47 : vector<16x1xi32> to vector<16xi32>
        %gather3A_222 = tpu.dynamic_gather %masked_cumsum3A_220[%gather3A_221] in [0] : vector<16xf32>, vector<16xi32> -> vector<16xf32>
        %add3A_223 = arith.addf %gather3A_222, %gather3A_209 : vector<16xf32>
        %add3A_224 = arith.addf %add3A_223, %gather3A_196 : vector<16xf32>
        %add3A_225 = arith.addf %add3A_224, %gather3A_183 : vector<16xf32>
        %add3A_226 = arith.addf %add3A_225, %gather3A_170 : vector<16xf32>
        %add3A_227 = arith.addf %add3A_226, %gather3A_157 : vector<16xf32>
        %add3A_228 = arith.addf %add3A_227, %gather3A_144 : vector<16xf32>
        %add3A_229 = arith.addf %add3A_228, %gather3A_131 : vector<16xf32>
        %sub3A_230 = arith.subf %gather3A_131, %masked_cumsum3A : vector<16xf32>
        %add3A_231 = arith.addf %sub3A_230, %get3A_128 : vector<16xf32>
        %add3A_232 = arith.addf %add3A_231, %add3A_228 : vector<16xf32>
        %add3A_233 = arith.addf %scan3A_118, %add3A_232 : vector<16xf32>
        %add3A_234 = arith.constant 0 : i32
        %add3A_235 = arith.addi %mul3A_121, %add3A_234 : i32
        %mul3A_236 = arith.constant 16 : i32
        %mul3A_237 = arith.muli %add3A_235, %mul3A_236 : i32
        %swap3A = arith.constant 0 : i32
        %swap3A_238 = arith.index_cast %swap3A : i32 to index
        %swap3A_239 = arith.index_cast %mul3A_237 : i32 to index
        %swap3A_240 = tpu.vector_load %arg6[%swap3A_238, %swap3A_239] {strides = array<i32>} : memref<2x8192xf32, #tpu.memory_space<vmem>>, vector<16xf32>,
        tpu.vector_store %arg6[%swap3A_238, %swap3A_239], %add3A_233 {strides = array<i32>} : memref<2x8192xf32, #tpu.memory_space<vmem>>, vector<16xf32>,
        %sub3A_241 = arith.subf %gather3A_144, %masked_cumsum3A_142 : vector<16xf32>
        %add3A_242 = arith.addf %sub3A_241, %get3A_139 : vector<16xf32>
        %add3A_243 = arith.addf %add3A_242, %add3A_227 : vector<16xf32>
        %add3A_244 = arith.addf %scan3A_118, %add3A_243 : vector<16xf32>
        %add3A_245 = arith.constant 1 : i32
        %add3A_246 = arith.addi %mul3A_121, %add3A_245 : i32
        %mul3A_247 = arith.constant 16 : i32
        %mul3A_248 = arith.muli %add3A_246, %mul3A_247 : i32
        %swap3A_249 = arith.constant 0 : i32
        %swap3A_250 = arith.index_cast %swap3A_249 : i32 to index
        %swap3A_251 = arith.index_cast %mul3A_248 : i32 to index
        %swap3A_252 = tpu.vector_load %arg6[%swap3A_250, %swap3A_251] {strides = array<i32>} : memref<2x8192xf32, #tpu.memory_space<vmem>>, vector<16xf32>,
        tpu.vector_store %arg6[%swap3A_250, %swap3A_251], %add3A_244 {strides = array<i32>} : memref<2x8192xf32, #tpu.memory_space<vmem>>, vector<16xf32>,
        %sub3A_253 = arith.subf %gather3A_157, %masked_cumsum3A_155 : vector<16xf32>
        %add3A_254 = arith.addf %sub3A_253, %get3A_152 : vector<16xf32>
        %add3A_255 = arith.addf %add3A_254, %add3A_226 : vector<16xf32>
        %add3A_256 = arith.addf %scan3A_118, %add3A_255 : vector<16xf32>
        %add3A_257 = arith.constant 2 : i32
        %add3A_258 = arith.addi %mul3A_121, %add3A_257 : i32
        %mul3A_259 = arith.constant 16 : i32
        %mul3A_260 = arith.muli %add3A_258, %mul3A_259 : i32
        %swap3A_261 = arith.constant 0 : i32
        %swap3A_262 = arith.index_cast %swap3A_261 : i32 to index
        %swap3A_263 = arith.index_cast %mul3A_260 : i32 to index
        %swap3A_264 = tpu.vector_load %arg6[%swap3A_262, %swap3A_263] {strides = array<i32>} : memref<2x8192xf32, #tpu.memory_space<vmem>>, vector<16xf32>,
        tpu.vector_store %arg6[%swap3A_262, %swap3A_263], %add3A_256 {strides = array<i32>} : memref<2x8192xf32, #tpu.memory_space<vmem>>, vector<16xf32>,
        %sub3A_265 = arith.subf %gather3A_170, %masked_cumsum3A_168 : vector<16xf32>
        %add3A_266 = arith.addf %sub3A_265, %get3A_165 : vector<16xf32>
        %add3A_267 = arith.addf %add3A_266, %add3A_225 : vector<16xf32>
        %add3A_268 = arith.addf %scan3A_118, %add3A_267 : vector<16xf32>
        %add3A_269 = arith.constant 3 : i32
        %add3A_270 = arith.addi %mul3A_121, %add3A_269 : i32
        %mul3A_271 = arith.constant 16 : i32
        %mul3A_272 = arith.muli %add3A_270, %mul3A_271 : i32
        %swap3A_273 = arith.constant 0 : i32
        %swap3A_274 = arith.index_cast %swap3A_273 : i32 to index
        %swap3A_275 = arith.index_cast %mul3A_272 : i32 to index
        %swap3A_276 = tpu.vector_load %arg6[%swap3A_274, %swap3A_275] {strides = array<i32>} : memref<2x8192xf32, #tpu.memory_space<vmem>>, vector<16xf32>,
        tpu.vector_store %arg6[%swap3A_274, %swap3A_275], %add3A_268 {strides = array<i32>} : memref<2x8192xf32, #tpu.memory_space<vmem>>, vector<16xf32>,
        %sub3A_277 = arith.subf %gather3A_183, %masked_cumsum3A_181 : vector<16xf32>
        %add3A_278 = arith.addf %sub3A_277, %get3A_178 : vector<16xf32>
        %add3A_279 = arith.addf %add3A_278, %add3A_224 : vector<16xf32>
        %add3A_280 = arith.addf %scan3A_118, %add3A_279 : vector<16xf32>
        %add3A_281 = arith.constant 4 : i32
        %add3A_282 = arith.addi %mul3A_121, %add3A_281 : i32
        %mul3A_283 = arith.constant 16 : i32
        %mul3A_284 = arith.muli %add3A_282, %mul3A_283 : i32
        %swap3A_285 = arith.constant 0 : i32
        %swap3A_286 = arith.index_cast %swap3A_285 : i32 to index
        %swap3A_287 = arith.index_cast %mul3A_284 : i32 to index
        %swap3A_288 = tpu.vector_load %arg6[%swap3A_286, %swap3A_287] {strides = array<i32>} : memref<2x8192xf32, #tpu.memory_space<vmem>>, vector<16xf32>,
        tpu.vector_store %arg6[%swap3A_286, %swap3A_287], %add3A_280 {strides = array<i32>} : memref<2x8192xf32, #tpu.memory_space<vmem>>, vector<16xf32>,
        %sub3A_289 = arith.subf %gather3A_196, %masked_cumsum3A_194 : vector<16xf32>
        %add3A_290 = arith.addf %sub3A_289, %get3A_191 : vector<16xf32>
        %add3A_291 = arith.addf %add3A_290, %add3A_223 : vector<16xf32>
        %add3A_292 = arith.addf %scan3A_118, %add3A_291 : vector<16xf32>
        %add3A_293 = arith.constant 5 : i32
        %add3A_294 = arith.addi %mul3A_121, %add3A_293 : i32
        %mul3A_295 = arith.constant 16 : i32
        %mul3A_296 = arith.muli %add3A_294, %mul3A_295 : i32
        %swap3A_297 = arith.constant 0 : i32
        %swap3A_298 = arith.index_cast %swap3A_297 : i32 to index
        %swap3A_299 = arith.index_cast %mul3A_296 : i32 to index
        %swap3A_300 = tpu.vector_load %arg6[%swap3A_298, %swap3A_299] {strides = array<i32>} : memref<2x8192xf32, #tpu.memory_space<vmem>>, vector<16xf32>,
        tpu.vector_store %arg6[%swap3A_298, %swap3A_299], %add3A_292 {strides = array<i32>} : memref<2x8192xf32, #tpu.memory_space<vmem>>, vector<16xf32>,
        %sub3A_301 = arith.subf %gather3A_209, %masked_cumsum3A_207 : vector<16xf32>
        %add3A_302 = arith.addf %sub3A_301, %get3A_204 : vector<16xf32>
        %add3A_303 = arith.addf %add3A_302, %gather3A_222 : vector<16xf32>
        %add3A_304 = arith.addf %scan3A_118, %add3A_303 : vector<16xf32>
        %add3A_305 = arith.constant 6 : i32
        %add3A_306 = arith.addi %mul3A_121, %add3A_305 : i32
        %mul3A_307 = arith.constant 16 : i32
        %mul3A_308 = arith.muli %add3A_306, %mul3A_307 : i32
        %swap3A_309 = arith.constant 0 : i32
        %swap3A_310 = arith.index_cast %swap3A_309 : i32 to index
        %swap3A_311 = arith.index_cast %mul3A_308 : i32 to index
        %swap3A_312 = tpu.vector_load %arg6[%swap3A_310, %swap3A_311] {strides = array<i32>} : memref<2x8192xf32, #tpu.memory_space<vmem>>, vector<16xf32>,
        tpu.vector_store %arg6[%swap3A_310, %swap3A_311], %add3A_304 {strides = array<i32>} : memref<2x8192xf32, #tpu.memory_space<vmem>>, vector<16xf32>,
        %sub3A_313 = arith.subf %gather3A_222, %masked_cumsum3A_220 : vector<16xf32>
        %add3A_314 = arith.addf %sub3A_313, %get3A_217 : vector<16xf32>
        %add3A_315 = arith.addf %scan3A_118, %add3A_314 : vector<16xf32>
        %add3A_316 = arith.constant 7 : i32
        %add3A_317 = arith.addi %mul3A_121, %add3A_316 : i32
        %mul3A_318 = arith.constant 16 : i32
        %mul3A_319 = arith.muli %add3A_317, %mul3A_318 : i32
        %swap3A_320 = arith.constant 0 : i32
        %swap3A_321 = arith.index_cast %swap3A_320 : i32 to index
        %swap3A_322 = arith.index_cast %mul3A_319 : i32 to index
        %swap3A_323 = tpu.vector_load %arg6[%swap3A_321, %swap3A_322] {strides = array<i32>} : memref<2x8192xf32, #tpu.memory_space<vmem>>, vector<16xf32>,
        tpu.vector_store %arg6[%swap3A_321, %swap3A_322], %add3A_315 {strides = array<i32>} : memref<2x8192xf32, #tpu.memory_space<vmem>>, vector<16xf32>,
        %add3A_324 = arith.addf %scan3A_118, %add3A_229 : vector<16xf32>
        scf.yield %add3A_324 : vector<16xf32>
      }
      %scan3A_55 = arith.constant 64 : i32
      %broadcast_in_dim3A_56 = arith.constant 0.000000e+00 : f32
      %broadcast_in_dim3A_57 = vector.broadcast %broadcast_in_dim3A_56 : f32 to vector<16xf32>
      %scan3A_58 = arith.constant 0 : i32
      %scan3A_59 = arith.constant 64 : i32
      %scan3A_60 = arith.addi %scan3A_58, %scan3A_59 : i32
      %scan3A_61 = arith.constant 1 : i32
      %scan3A_62 = scf.for %scan3A_117 = %scan3A_58 to %scan3A_60 step %scan3A_61 iter_args(%scan3A_118 = %broadcast_in_dim3A_57) -> (vector<16xf32>)  : i32 {
        %sub3A = arith.constant 63 : i32
        %sub3A_119 = arith.subi %sub3A, %scan3A_117 : i32
        %mul3A_120 = arith.constant 8 : i32
        %mul3A_121 = arith.muli %sub3A_119, %mul3A_120 : i32
        %add3A_122 = arith.constant 0 : i32
        %add3A_123 = arith.addi %mul3A_121, %add3A_122 : i32
        %mul3A_124 = arith.constant 16 : i32
        %mul3A_125 = arith.muli %add3A_123, %mul3A_124 : i32
        %get3A = arith.constant 1 : i32
        %get3A_126 = arith.index_cast %get3A : i32 to index
        %get3A_127 = arith.index_cast %mul3A_125 : i32 to index
        %get3A_128 = tpu.vector_load %arg4[%get3A_126, %get3A_127] {strides = array<i32>} : memref<2x8192xf32, #tpu.memory_space<vmem>>, vector<16xf32>,
        %broadcast_in_dim3A_129 = arith.constant true
        %broadcast_in_dim3A_130 = vector.broadcast %broadcast_in_dim3A_129 : i1 to vector<16xi1>
        %masked_cumsum3A = tpu.scan <sum>, %get3A_128 masked %broadcast_in_dim3A_130 : vector<16xf32>, vector<16xi1> -> vector<16xf32>
        %gather3A = vector.shape_cast %broadcast_in_dim3A_47 : vector<16x1xi32> to vector<16xi32>
        %gather3A_131 = tpu.dynamic_gather %masked_cumsum3A[%gather3A] in [0] : vector<16xf32>, vector<16xi32> -> vector<16xf32>
        %add3A_132 = arith.constant 1 : i32
        %add3A_133 = arith.addi %mul3A_121, %add3A_132 : i32
        %mul3A_134 = arith.constant 16 : i32
        %mul3A_135 = arith.muli %add3A_133, %mul3A_134 : i32
        %get3A_136 = arith.constant 1 : i32
        %get3A_137 = arith.index_cast %get3A_136 : i32 to index
        %get3A_138 = arith.index_cast %mul3A_135 : i32 to index
        %get3A_139 = tpu.vector_load %arg4[%get3A_137, %get3A_138] {strides = array<i32>} : memref<2x8192xf32, #tpu.memory_space<vmem>>, vector<16xf32>,
        %broadcast_in_dim3A_140 = arith.constant true
        %broadcast_in_dim3A_141 = vector.broadcast %broadcast_in_dim3A_140 : i1 to vector<16xi1>
        %masked_cumsum3A_142 = tpu.scan <sum>, %get3A_139 masked %broadcast_in_dim3A_141 : vector<16xf32>, vector<16xi1> -> vector<16xf32>
        %gather3A_143 = vector.shape_cast %broadcast_in_dim3A_47 : vector<16x1xi32> to vector<16xi32>
        %gather3A_144 = tpu.dynamic_gather %masked_cumsum3A_142[%gather3A_143] in [0] : vector<16xf32>, vector<16xi32> -> vector<16xf32>
        %add3A_145 = arith.constant 2 : i32
        %add3A_146 = arith.addi %mul3A_121, %add3A_145 : i32
        %mul3A_147 = arith.constant 16 : i32
        %mul3A_148 = arith.muli %add3A_146, %mul3A_147 : i32
        %get3A_149 = arith.constant 1 : i32
        %get3A_150 = arith.index_cast %get3A_149 : i32 to index
        %get3A_151 = arith.index_cast %mul3A_148 : i32 to index
        %get3A_152 = tpu.vector_load %arg4[%get3A_150, %get3A_151] {strides = array<i32>} : memref<2x8192xf32, #tpu.memory_space<vmem>>, vector<16xf32>,
        %broadcast_in_dim3A_153 = arith.constant true
        %broadcast_in_dim3A_154 = vector.broadcast %broadcast_in_dim3A_153 : i1 to vector<16xi1>
        %masked_cumsum3A_155 = tpu.scan <sum>, %get3A_152 masked %broadcast_in_dim3A_154 : vector<16xf32>, vector<16xi1> -> vector<16xf32>
        %gather3A_156 = vector.shape_cast %broadcast_in_dim3A_47 : vector<16x1xi32> to vector<16xi32>
        %gather3A_157 = tpu.dynamic_gather %masked_cumsum3A_155[%gather3A_156] in [0] : vector<16xf32>, vector<16xi32> -> vector<16xf32>
        %add3A_158 = arith.constant 3 : i32
        %add3A_159 = arith.addi %mul3A_121, %add3A_158 : i32
        %mul3A_160 = arith.constant 16 : i32
        %mul3A_161 = arith.muli %add3A_159, %mul3A_160 : i32
        %get3A_162 = arith.constant 1 : i32
        %get3A_163 = arith.index_cast %get3A_162 : i32 to index
        %get3A_164 = arith.index_cast %mul3A_161 : i32 to index
        %get3A_165 = tpu.vector_load %arg4[%get3A_163, %get3A_164] {strides = array<i32>} : memref<2x8192xf32, #tpu.memory_space<vmem>>, vector<16xf32>,
        %broadcast_in_dim3A_166 = arith.constant true
        %broadcast_in_dim3A_167 = vector.broadcast %broadcast_in_dim3A_166 : i1 to vector<16xi1>
        %masked_cumsum3A_168 = tpu.scan <sum>, %get3A_165 masked %broadcast_in_dim3A_167 : vector<16xf32>, vector<16xi1> -> vector<16xf32>
        %gather3A_169 = vector.shape_cast %broadcast_in_dim3A_47 : vector<16x1xi32> to vector<16xi32>
        %gather3A_170 = tpu.dynamic_gather %masked_cumsum3A_168[%gather3A_169] in [0] : vector<16xf32>, vector<16xi32> -> vector<16xf32>
        %add3A_171 = arith.constant 4 : i32
        %add3A_172 = arith.addi %mul3A_121, %add3A_171 : i32
        %mul3A_173 = arith.constant 16 : i32
        %mul3A_174 = arith.muli %add3A_172, %mul3A_173 : i32
        %get3A_175 = arith.constant 1 : i32
        %get3A_176 = arith.index_cast %get3A_175 : i32 to index
        %get3A_177 = arith.index_cast %mul3A_174 : i32 to index
        %get3A_178 = tpu.vector_load %arg4[%get3A_176, %get3A_177] {strides = array<i32>} : memref<2x8192xf32, #tpu.memory_space<vmem>>, vector<16xf32>,
        %broadcast_in_dim3A_179 = arith.constant true
        %broadcast_in_dim3A_180 = vector.broadcast %broadcast_in_dim3A_179 : i1 to vector<16xi1>
        %masked_cumsum3A_181 = tpu.scan <sum>, %get3A_178 masked %broadcast_in_dim3A_180 : vector<16xf32>, vector<16xi1> -> vector<16xf32>
        %gather3A_182 = vector.shape_cast %broadcast_in_dim3A_47 : vector<16x1xi32> to vector<16xi32>
        %gather3A_183 = tpu.dynamic_gather %masked_cumsum3A_181[%gather3A_182] in [0] : vector<16xf32>, vector<16xi32> -> vector<16xf32>
        %add3A_184 = arith.constant 5 : i32
        %add3A_185 = arith.addi %mul3A_121, %add3A_184 : i32
        %mul3A_186 = arith.constant 16 : i32
        %mul3A_187 = arith.muli %add3A_185, %mul3A_186 : i32
        %get3A_188 = arith.constant 1 : i32
        %get3A_189 = arith.index_cast %get3A_188 : i32 to index
        %get3A_190 = arith.index_cast %mul3A_187 : i32 to index
        %get3A_191 = tpu.vector_load %arg4[%get3A_189, %get3A_190] {strides = array<i32>} : memref<2x8192xf32, #tpu.memory_space<vmem>>, vector<16xf32>,
        %broadcast_in_dim3A_192 = arith.constant true
        %broadcast_in_dim3A_193 = vector.broadcast %broadcast_in_dim3A_192 : i1 to vector<16xi1>
        %masked_cumsum3A_194 = tpu.scan <sum>, %get3A_191 masked %broadcast_in_dim3A_193 : vector<16xf32>, vector<16xi1> -> vector<16xf32>
        %gather3A_195 = vector.shape_cast %broadcast_in_dim3A_47 : vector<16x1xi32> to vector<16xi32>
        %gather3A_196 = tpu.dynamic_gather %masked_cumsum3A_194[%gather3A_195] in [0] : vector<16xf32>, vector<16xi32> -> vector<16xf32>
        %add3A_197 = arith.constant 6 : i32
        %add3A_198 = arith.addi %mul3A_121, %add3A_197 : i32
        %mul3A_199 = arith.constant 16 : i32
        %mul3A_200 = arith.muli %add3A_198, %mul3A_199 : i32
        %get3A_201 = arith.constant 1 : i32
        %get3A_202 = arith.index_cast %get3A_201 : i32 to index
        %get3A_203 = arith.index_cast %mul3A_200 : i32 to index
        %get3A_204 = tpu.vector_load %arg4[%get3A_202, %get3A_203] {strides = array<i32>} : memref<2x8192xf32, #tpu.memory_space<vmem>>, vector<16xf32>,
        %broadcast_in_dim3A_205 = arith.constant true
        %broadcast_in_dim3A_206 = vector.broadcast %broadcast_in_dim3A_205 : i1 to vector<16xi1>
        %masked_cumsum3A_207 = tpu.scan <sum>, %get3A_204 masked %broadcast_in_dim3A_206 : vector<16xf32>, vector<16xi1> -> vector<16xf32>
        %gather3A_208 = vector.shape_cast %broadcast_in_dim3A_47 : vector<16x1xi32> to vector<16xi32>
        %gather3A_209 = tpu.dynamic_gather %masked_cumsum3A_207[%gather3A_208] in [0] : vector<16xf32>, vector<16xi32> -> vector<16xf32>
        %add3A_210 = arith.constant 7 : i32
        %add3A_211 = arith.addi %mul3A_121, %add3A_210 : i32
        %mul3A_212 = arith.constant 16 : i32
        %mul3A_213 = arith.muli %add3A_211, %mul3A_212 : i32
        %get3A_214 = arith.constant 1 : i32
        %get3A_215 = arith.index_cast %get3A_214 : i32 to index
        %get3A_216 = arith.index_cast %mul3A_213 : i32 to index
        %get3A_217 = tpu.vector_load %arg4[%get3A_215, %get3A_216] {strides = array<i32>} : memref<2x8192xf32, #tpu.memory_space<vmem>>, vector<16xf32>,
        %broadcast_in_dim3A_218 = arith.constant true
        %broadcast_in_dim3A_219 = vector.broadcast %broadcast_in_dim3A_218 : i1 to vector<16xi1>
        %masked_cumsum3A_220 = tpu.scan <sum>, %get3A_217 masked %broadcast_in_dim3A_219 : vector<16xf32>, vector<16xi1> -> vector<16xf32>
        %gather3A_221 = vector.shape_cast %broadcast_in_dim3A_47 : vector<16x1xi32> to vector<16xi32>
        %gather3A_222 = tpu.dynamic_gather %masked_cumsum3A_220[%gather3A_221] in [0] : vector<16xf32>, vector<16xi32> -> vector<16xf32>
        %add3A_223 = arith.addf %gather3A_222, %gather3A_209 : vector<16xf32>
        %add3A_224 = arith.addf %add3A_223, %gather3A_196 : vector<16xf32>
        %add3A_225 = arith.addf %add3A_224, %gather3A_183 : vector<16xf32>
        %add3A_226 = arith.addf %add3A_225, %gather3A_170 : vector<16xf32>
        %add3A_227 = arith.addf %add3A_226, %gather3A_157 : vector<16xf32>
        %add3A_228 = arith.addf %add3A_227, %gather3A_144 : vector<16xf32>
        %add3A_229 = arith.addf %add3A_228, %gather3A_131 : vector<16xf32>
        %sub3A_230 = arith.subf %gather3A_131, %masked_cumsum3A : vector<16xf32>
        %add3A_231 = arith.addf %sub3A_230, %get3A_128 : vector<16xf32>
        %add3A_232 = arith.addf %add3A_231, %add3A_228 : vector<16xf32>
        %add3A_233 = arith.addf %scan3A_118, %add3A_232 : vector<16xf32>
        %add3A_234 = arith.constant 0 : i32
        %add3A_235 = arith.addi %mul3A_121, %add3A_234 : i32
        %mul3A_236 = arith.constant 16 : i32
        %mul3A_237 = arith.muli %add3A_235, %mul3A_236 : i32
        %swap3A = arith.constant 1 : i32
        %swap3A_238 = arith.index_cast %swap3A : i32 to index
        %swap3A_239 = arith.index_cast %mul3A_237 : i32 to index
        %swap3A_240 = tpu.vector_load %arg6[%swap3A_238, %swap3A_239] {strides = array<i32>} : memref<2x8192xf32, #tpu.memory_space<vmem>>, vector<16xf32>,
        tpu.vector_store %arg6[%swap3A_238, %swap3A_239], %add3A_233 {strides = array<i32>} : memref<2x8192xf32, #tpu.memory_space<vmem>>, vector<16xf32>,
        %sub3A_241 = arith.subf %gather3A_144, %masked_cumsum3A_142 : vector<16xf32>
        %add3A_242 = arith.addf %sub3A_241, %get3A_139 : vector<16xf32>
        %add3A_243 = arith.addf %add3A_242, %add3A_227 : vector<16xf32>
        %add3A_244 = arith.addf %scan3A_118, %add3A_243 : vector<16xf32>
        %add3A_245 = arith.constant 1 : i32
        %add3A_246 = arith.addi %mul3A_121, %add3A_245 : i32
        %mul3A_247 = arith.constant 16 : i32
        %mul3A_248 = arith.muli %add3A_246, %mul3A_247 : i32
        %swap3A_249 = arith.constant 1 : i32
        %swap3A_250 = arith.index_cast %swap3A_249 : i32 to index
        %swap3A_251 = arith.index_cast %mul3A_248 : i32 to index
        %swap3A_252 = tpu.vector_load %arg6[%swap3A_250, %swap3A_251] {strides = array<i32>} : memref<2x8192xf32, #tpu.memory_space<vmem>>, vector<16xf32>,
        tpu.vector_store %arg6[%swap3A_250, %swap3A_251], %add3A_244 {strides = array<i32>} : memref<2x8192xf32, #tpu.memory_space<vmem>>, vector<16xf32>,
        %sub3A_253 = arith.subf %gather3A_157, %masked_cumsum3A_155 : vector<16xf32>
        %add3A_254 = arith.addf %sub3A_253, %get3A_152 : vector<16xf32>
        %add3A_255 = arith.addf %add3A_254, %add3A_226 : vector<16xf32>
        %add3A_256 = arith.addf %scan3A_118, %add3A_255 : vector<16xf32>
        %add3A_257 = arith.constant 2 : i32
        %add3A_258 = arith.addi %mul3A_121, %add3A_257 : i32
        %mul3A_259 = arith.constant 16 : i32
        %mul3A_260 = arith.muli %add3A_258, %mul3A_259 : i32
        %swap3A_261 = arith.constant 1 : i32
        %swap3A_262 = arith.index_cast %swap3A_261 : i32 to index
        %swap3A_263 = arith.index_cast %mul3A_260 : i32 to index
        %swap3A_264 = tpu.vector_load %arg6[%swap3A_262, %swap3A_263] {strides = array<i32>} : memref<2x8192xf32, #tpu.memory_space<vmem>>, vector<16xf32>,
        tpu.vector_store %arg6[%swap3A_262, %swap3A_263], %add3A_256 {strides = array<i32>} : memref<2x8192xf32, #tpu.memory_space<vmem>>, vector<16xf32>,
        %sub3A_265 = arith.subf %gather3A_170, %masked_cumsum3A_168 : vector<16xf32>
        %add3A_266 = arith.addf %sub3A_265, %get3A_165 : vector<16xf32>
        %add3A_267 = arith.addf %add3A_266, %add3A_225 : vector<16xf32>
        %add3A_268 = arith.addf %scan3A_118, %add3A_267 : vector<16xf32>
        %add3A_269 = arith.constant 3 : i32
        %add3A_270 = arith.addi %mul3A_121, %add3A_269 : i32
        %mul3A_271 = arith.constant 16 : i32
        %mul3A_272 = arith.muli %add3A_270, %mul3A_271 : i32
        %swap3A_273 = arith.constant 1 : i32
        %swap3A_274 = arith.index_cast %swap3A_273 : i32 to index
        %swap3A_275 = arith.index_cast %mul3A_272 : i32 to index
        %swap3A_276 = tpu.vector_load %arg6[%swap3A_274, %swap3A_275] {strides = array<i32>} : memref<2x8192xf32, #tpu.memory_space<vmem>>, vector<16xf32>,
        tpu.vector_store %arg6[%swap3A_274, %swap3A_275], %add3A_268 {strides = array<i32>} : memref<2x8192xf32, #tpu.memory_space<vmem>>, vector<16xf32>,
        %sub3A_277 = arith.subf %gather3A_183, %masked_cumsum3A_181 : vector<16xf32>
        %add3A_278 = arith.addf %sub3A_277, %get3A_178 : vector<16xf32>
        %add3A_279 = arith.addf %add3A_278, %add3A_224 : vector<16xf32>
        %add3A_280 = arith.addf %scan3A_118, %add3A_279 : vector<16xf32>
        %add3A_281 = arith.constant 4 : i32
        %add3A_282 = arith.addi %mul3A_121, %add3A_281 : i32
        %mul3A_283 = arith.constant 16 : i32
        %mul3A_284 = arith.muli %add3A_282, %mul3A_283 : i32
        %swap3A_285 = arith.constant 1 : i32
        %swap3A_286 = arith.index_cast %swap3A_285 : i32 to index
        %swap3A_287 = arith.index_cast %mul3A_284 : i32 to index
        %swap3A_288 = tpu.vector_load %arg6[%swap3A_286, %swap3A_287] {strides = array<i32>} : memref<2x8192xf32, #tpu.memory_space<vmem>>, vector<16xf32>,
        tpu.vector_store %arg6[%swap3A_286, %swap3A_287], %add3A_280 {strides = array<i32>} : memref<2x8192xf32, #tpu.memory_space<vmem>>, vector<16xf32>,
        %sub3A_289 = arith.subf %gather3A_196, %masked_cumsum3A_194 : vector<16xf32>
        %add3A_290 = arith.addf %sub3A_289, %get3A_191 : vector<16xf32>
        %add3A_291 = arith.addf %add3A_290, %add3A_223 : vector<16xf32>
        %add3A_292 = arith.addf %scan3A_118, %add3A_291 : vector<16xf32>
        %add3A_293 = arith.constant 5 : i32
        %add3A_294 = arith.addi %mul3A_121, %add3A_293 : i32
        %mul3A_295 = arith.constant 16 : i32
        %mul3A_296 = arith.muli %add3A_294, %mul3A_295 : i32
        %swap3A_297 = arith.constant 1 : i32
        %swap3A_298 = arith.index_cast %swap3A_297 : i32 to index
        %swap3A_299 = arith.index_cast %mul3A_296 : i32 to index
        %swap3A_300 = tpu.vector_load %arg6[%swap3A_298, %swap3A_299] {strides = array<i32>} : memref<2x8192xf32, #tpu.memory_space<vmem>>, vector<16xf32>,
        tpu.vector_store %arg6[%swap3A_298, %swap3A_299], %add3A_292 {strides = array<i32>} : memref<2x8192xf32, #tpu.memory_space<vmem>>, vector<16xf32>,
        %sub3A_301 = arith.subf %gather3A_209, %masked_cumsum3A_207 : vector<16xf32>
        %add3A_302 = arith.addf %sub3A_301, %get3A_204 : vector<16xf32>
        %add3A_303 = arith.addf %add3A_302, %gather3A_222 : vector<16xf32>
        %add3A_304 = arith.addf %scan3A_118, %add3A_303 : vector<16xf32>
        %add3A_305 = arith.constant 6 : i32
        %add3A_306 = arith.addi %mul3A_121, %add3A_305 : i32
        %mul3A_307 = arith.constant 16 : i32
        %mul3A_308 = arith.muli %add3A_306, %mul3A_307 : i32
        %swap3A_309 = arith.constant 1 : i32
        %swap3A_310 = arith.index_cast %swap3A_309 : i32 to index
        %swap3A_311 = arith.index_cast %mul3A_308 : i32 to index
        %swap3A_312 = tpu.vector_load %arg6[%swap3A_310, %swap3A_311] {strides = array<i32>} : memref<2x8192xf32, #tpu.memory_space<vmem>>, vector<16xf32>,
        tpu.vector_store %arg6[%swap3A_310, %swap3A_311], %add3A_304 {strides = array<i32>} : memref<2x8192xf32, #tpu.memory_space<vmem>>, vector<16xf32>,
        %sub3A_313 = arith.subf %gather3A_222, %masked_cumsum3A_220 : vector<16xf32>
        %add3A_314 = arith.addf %sub3A_313, %get3A_217 : vector<16xf32>
        %add3A_315 = arith.addf %scan3A_118, %add3A_314 : vector<16xf32>
        %add3A_316 = arith.constant 7 : i32
        %add3A_317 = arith.addi %mul3A_121, %add3A_316 : i32
        %mul3A_318 = arith.constant 16 : i32
        %mul3A_319 = arith.muli %add3A_317, %mul3A_318 : i32
        %swap3A_320 = arith.constant 1 : i32
        %swap3A_321 = arith.index_cast %swap3A_320 : i32 to index
        %swap3A_322 = arith.index_cast %mul3A_319 : i32 to index
        %swap3A_323 = tpu.vector_load %arg6[%swap3A_321, %swap3A_322] {strides = array<i32>} : memref<2x8192xf32, #tpu.memory_space<vmem>>, vector<16xf32>,
        tpu.vector_store %arg6[%swap3A_321, %swap3A_322], %add3A_315 {strides = array<i32>} : memref<2x8192xf32, #tpu.memory_space<vmem>>, vector<16xf32>,
        %add3A_324 = arith.addf %scan3A_118, %add3A_229 : vector<16xf32>
        scf.yield %add3A_324 : vector<16xf32>
      }
      %scan3A_63 = arith.constant 64 : i32
      %mul3A_64 = arith.constant 2 : i32
      %mul3A_65 = arith.muli %mul3A_28, %mul3A_64 : i32
      %add3A_66 = arith.addi %mul3A_2, %mul3A_65 : i32
      %dma_start3A_67 = arith.constant 0 : i32
      %dma_start3A_68 = tpu.memref_slice %arg3[%add3A_66, %dma_start3A_67] : memref<4096x8192xf32, #tpu.memory_space<hbm>> -> memref<2x8192xf32, #tpu.memory_space<hbm>>
      %dma_start3A_69 = arith.constant 0 : i32
      %dma_start3A_70 = tpu.memref_slice %arg3[%add3A_66, %dma_start3A_69] : memref<4096x8192xf32, #tpu.memory_space<hbm>> -> memref<2x8192xf32, #tpu.memory_space<hbm>>
      tpu.enqueue_dma source(%arg6 : memref<2x8192xf32, #tpu.memory_space<vmem>>) target(%dma_start3A_70 : memref<2x8192xf32, #tpu.memory_space<hbm>>) target_semaphore(%arg10 : memref<!tpu.dma_semaphore, #tpu.memory_space<semaphore_mem>>)
      %add3A_71 = arith.constant 1 : i32
      %add3A_72 = arith.addi %mul3A_28, %add3A_71 : i32
      %mul3A_73 = arith.constant 2 : i32
      %mul3A_74 = arith.muli %add3A_72, %mul3A_73 : i32
      %add3A_75 = arith.addi %mul3A_2, %mul3A_74 : i32
      %dma_wait3A_76 = arith.constant 0 : i32
      %dma_wait3A_77 = tpu.memref_slice %arg2[%add3A_75, %dma_wait3A_76] : memref<4096x8192xf32, #tpu.memory_space<hbm>> -> memref<2x8192xf32, #tpu.memory_space<hbm>>
      %dma_wait3A_78 = arith.constant 0 : i32
      %dma_wait3A_79 = tpu.memref_slice %arg2[%add3A_75, %dma_wait3A_78] : memref<4096x8192xf32, #tpu.memory_space<hbm>> -> memref<2x8192xf32, #tpu.memory_space<hbm>>
      tpu.wait_dma2 semaphore(%arg9 : memref<!tpu.dma_semaphore, #tpu.memory_space<semaphore_mem>>) src(%dma_wait3A_79 : memref<2x8192xf32, #tpu.memory_space<hbm>>) dst(%arg5 : memref<2x8192xf32, #tpu.memory_space<vmem>>)
      %lt3A = arith.constant 15 : i32
      %lt3A_80 = arith.cmpi slt, %scan3A_25, %lt3A : i32
      %convert_element_type3A_81 = arith.extui %lt3A_80 : i1 to i32
      %cond3A_82 = arith.constant 0 : i32
      %cond3A_83 = arith.cmpi ne, %convert_element_type3A_81, %cond3A_82 : i32
      scf.if %cond3A_83 {
        %add3A_117 = arith.constant 2 : i32
        %add3A_118 = arith.addi %mul3A_28, %add3A_117 : i32
        %mul3A_119 = arith.constant 2 : i32
        %mul3A_120 = arith.muli %add3A_118, %mul3A_119 : i32
        %add3A_121 = arith.addi %mul3A_2, %mul3A_120 : i32
        %dma_start3A_122 = arith.constant 0 : i32
        %dma_start3A_123 = tpu.memref_slice %arg2[%add3A_121, %dma_start3A_122] : memref<4096x8192xf32, #tpu.memory_space<hbm>> -> memref<2x8192xf32, #tpu.memory_space<hbm>>
        %dma_start3A_124 = arith.constant 0 : i32
        %dma_start3A_125 = tpu.memref_slice %arg2[%add3A_121, %dma_start3A_124] : memref<4096x8192xf32, #tpu.memory_space<hbm>> -> memref<2x8192xf32, #tpu.memory_space<hbm>>
        tpu.enqueue_dma source(%dma_start3A_125 : memref<2x8192xf32, #tpu.memory_space<hbm>>) target(%arg4 : memref<2x8192xf32, #tpu.memory_space<vmem>>) target_semaphore(%arg8 : memref<!tpu.dma_semaphore, #tpu.memory_space<semaphore_mem>>)
      } else {
      }
      %gt3A_84 = arith.constant 0 : i32
      %gt3A_85 = arith.cmpi sgt, %scan3A_25, %gt3A_84 : i32
      %convert_element_type3A_86 = arith.extui %gt3A_85 : i1 to i32
      %cond3A_87 = arith.constant 0 : i32
      %cond3A_88 = arith.cmpi ne, %convert_element_type3A_86, %cond3A_87 : i32
      scf.if %cond3A_88 {
        %sub3A = arith.constant 1 : i32
        %sub3A_117 = arith.subi %mul3A_28, %sub3A : i32
        %mul3A_118 = arith.constant 2 : i32
        %mul3A_119 = arith.muli %sub3A_117, %mul3A_118 : i32
        %add3A_120 = arith.addi %mul3A_2, %mul3A_119 : i32
        %dma_wait3A_121 = arith.constant 0 : i32
        %dma_wait3A_122 = tpu.memref_slice %arg3[%add3A_120, %dma_wait3A_121] : memref<4096x8192xf32, #tpu.memory_space<hbm>> -> memref<2x8192xf32, #tpu.memory_space<hbm>>
        %dma_wait3A_123 = arith.constant 0 : i32
        %dma_wait3A_124 = tpu.memref_slice %arg3[%add3A_120, %dma_wait3A_123] : memref<4096x8192xf32, #tpu.memory_space<hbm>> -> memref<2x8192xf32, #tpu.memory_space<hbm>>
        tpu.wait_dma2 semaphore(%arg11 : memref<!tpu.dma_semaphore, #tpu.memory_space<semaphore_mem>>) src(%arg7 : memref<2x8192xf32, #tpu.memory_space<vmem>>) dst(%dma_wait3A_124 : memref<2x8192xf32, #tpu.memory_space<hbm>>)
      } else {
      }
      %broadcast_in_dim3A_89 = arith.constant 15 : i32
      %broadcast_in_dim3A_90 = vector.broadcast %broadcast_in_dim3A_89 : i32 to vector<16x1xi32>
      %broadcast_in_dim3A_91 = arith.constant 0.000000e+00 : f32
      %broadcast_in_dim3A_92 = vector.broadcast %broadcast_in_dim3A_91 : f32 to vector<16xf32>
      %scan3A_93 = arith.constant 0 : i32
      %scan3A_94 = arith.constant 64 : i32
      %scan3A_95 = arith.addi %scan3A_93, %scan3A_94 : i32
      %scan3A_96 = arith.constant 1 : i32
      %scan3A_97 = scf.for %scan3A_117 = %scan3A_93 to %scan3A_95 step %scan3A_96 iter_args(%scan3A_118 = %broadcast_in_dim3A_92) -> (vector<16xf32>)  : i32 {
        %sub3A = arith.constant 63 : i32
        %sub3A_119 = arith.subi %sub3A, %scan3A_117 : i32
        %mul3A_120 = arith.constant 8 : i32
        %mul3A_121 = arith.muli %sub3A_119, %mul3A_120 : i32
        %add3A_122 = arith.constant 0 : i32
        %add3A_123 = arith.addi %mul3A_121, %add3A_122 : i32
        %mul3A_124 = arith.constant 16 : i32
        %mul3A_125 = arith.muli %add3A_123, %mul3A_124 : i32
        %get3A = arith.constant 0 : i32
        %get3A_126 = arith.index_cast %get3A : i32 to index
        %get3A_127 = arith.index_cast %mul3A_125 : i32 to index
        %get3A_128 = tpu.vector_load %arg5[%get3A_126, %get3A_127] {strides = array<i32>} : memref<2x8192xf32, #tpu.memory_space<vmem>>, vector<16xf32>,
        %broadcast_in_dim3A_129 = arith.constant true
        %broadcast_in_dim3A_130 = vector.broadcast %broadcast_in_dim3A_129 : i1 to vector<16xi1>
        %masked_cumsum3A = tpu.scan <sum>, %get3A_128 masked %broadcast_in_dim3A_130 : vector<16xf32>, vector<16xi1> -> vector<16xf32>
        %gather3A = vector.shape_cast %broadcast_in_dim3A_90 : vector<16x1xi32> to vector<16xi32>
        %gather3A_131 = tpu.dynamic_gather %masked_cumsum3A[%gather3A] in [0] : vector<16xf32>, vector<16xi32> -> vector<16xf32>
        %add3A_132 = arith.constant 1 : i32
        %add3A_133 = arith.addi %mul3A_121, %add3A_132 : i32
        %mul3A_134 = arith.constant 16 : i32
        %mul3A_135 = arith.muli %add3A_133, %mul3A_134 : i32
        %get3A_136 = arith.constant 0 : i32
        %get3A_137 = arith.index_cast %get3A_136 : i32 to index
        %get3A_138 = arith.index_cast %mul3A_135 : i32 to index
        %get3A_139 = tpu.vector_load %arg5[%get3A_137, %get3A_138] {strides = array<i32>} : memref<2x8192xf32, #tpu.memory_space<vmem>>, vector<16xf32>,
        %broadcast_in_dim3A_140 = arith.constant true
        %broadcast_in_dim3A_141 = vector.broadcast %broadcast_in_dim3A_140 : i1 to vector<16xi1>
        %masked_cumsum3A_142 = tpu.scan <sum>, %get3A_139 masked %broadcast_in_dim3A_141 : vector<16xf32>, vector<16xi1> -> vector<16xf32>
        %gather3A_143 = vector.shape_cast %broadcast_in_dim3A_90 : vector<16x1xi32> to vector<16xi32>
        %gather3A_144 = tpu.dynamic_gather %masked_cumsum3A_142[%gather3A_143] in [0] : vector<16xf32>, vector<16xi32> -> vector<16xf32>
        %add3A_145 = arith.constant 2 : i32
        %add3A_146 = arith.addi %mul3A_121, %add3A_145 : i32
        %mul3A_147 = arith.constant 16 : i32
        %mul3A_148 = arith.muli %add3A_146, %mul3A_147 : i32
        %get3A_149 = arith.constant 0 : i32
        %get3A_150 = arith.index_cast %get3A_149 : i32 to index
        %get3A_151 = arith.index_cast %mul3A_148 : i32 to index
        %get3A_152 = tpu.vector_load %arg5[%get3A_150, %get3A_151] {strides = array<i32>} : memref<2x8192xf32, #tpu.memory_space<vmem>>, vector<16xf32>,
        %broadcast_in_dim3A_153 = arith.constant true
        %broadcast_in_dim3A_154 = vector.broadcast %broadcast_in_dim3A_153 : i1 to vector<16xi1>
        %masked_cumsum3A_155 = tpu.scan <sum>, %get3A_152 masked %broadcast_in_dim3A_154 : vector<16xf32>, vector<16xi1> -> vector<16xf32>
        %gather3A_156 = vector.shape_cast %broadcast_in_dim3A_90 : vector<16x1xi32> to vector<16xi32>
        %gather3A_157 = tpu.dynamic_gather %masked_cumsum3A_155[%gather3A_156] in [0] : vector<16xf32>, vector<16xi32> -> vector<16xf32>
        %add3A_158 = arith.constant 3 : i32
        %add3A_159 = arith.addi %mul3A_121, %add3A_158 : i32
        %mul3A_160 = arith.constant 16 : i32
        %mul3A_161 = arith.muli %add3A_159, %mul3A_160 : i32
        %get3A_162 = arith.constant 0 : i32
        %get3A_163 = arith.index_cast %get3A_162 : i32 to index
        %get3A_164 = arith.index_cast %mul3A_161 : i32 to index
        %get3A_165 = tpu.vector_load %arg5[%get3A_163, %get3A_164] {strides = array<i32>} : memref<2x8192xf32, #tpu.memory_space<vmem>>, vector<16xf32>,
        %broadcast_in_dim3A_166 = arith.constant true
        %broadcast_in_dim3A_167 = vector.broadcast %broadcast_in_dim3A_166 : i1 to vector<16xi1>
        %masked_cumsum3A_168 = tpu.scan <sum>, %get3A_165 masked %broadcast_in_dim3A_167 : vector<16xf32>, vector<16xi1> -> vector<16xf32>
        %gather3A_169 = vector.shape_cast %broadcast_in_dim3A_90 : vector<16x1xi32> to vector<16xi32>
        %gather3A_170 = tpu.dynamic_gather %masked_cumsum3A_168[%gather3A_169] in [0] : vector<16xf32>, vector<16xi32> -> vector<16xf32>
        %add3A_171 = arith.constant 4 : i32
        %add3A_172 = arith.addi %mul3A_121, %add3A_171 : i32
        %mul3A_173 = arith.constant 16 : i32
        %mul3A_174 = arith.muli %add3A_172, %mul3A_173 : i32
        %get3A_175 = arith.constant 0 : i32
        %get3A_176 = arith.index_cast %get3A_175 : i32 to index
        %get3A_177 = arith.index_cast %mul3A_174 : i32 to index
        %get3A_178 = tpu.vector_load %arg5[%get3A_176, %get3A_177] {strides = array<i32>} : memref<2x8192xf32, #tpu.memory_space<vmem>>, vector<16xf32>,
        %broadcast_in_dim3A_179 = arith.constant true
        %broadcast_in_dim3A_180 = vector.broadcast %broadcast_in_dim3A_179 : i1 to vector<16xi1>
        %masked_cumsum3A_181 = tpu.scan <sum>, %get3A_178 masked %broadcast_in_dim3A_180 : vector<16xf32>, vector<16xi1> -> vector<16xf32>
        %gather3A_182 = vector.shape_cast %broadcast_in_dim3A_90 : vector<16x1xi32> to vector<16xi32>
        %gather3A_183 = tpu.dynamic_gather %masked_cumsum3A_181[%gather3A_182] in [0] : vector<16xf32>, vector<16xi32> -> vector<16xf32>
        %add3A_184 = arith.constant 5 : i32
        %add3A_185 = arith.addi %mul3A_121, %add3A_184 : i32
        %mul3A_186 = arith.constant 16 : i32
        %mul3A_187 = arith.muli %add3A_185, %mul3A_186 : i32
        %get3A_188 = arith.constant 0 : i32
        %get3A_189 = arith.index_cast %get3A_188 : i32 to index
        %get3A_190 = arith.index_cast %mul3A_187 : i32 to index
        %get3A_191 = tpu.vector_load %arg5[%get3A_189, %get3A_190] {strides = array<i32>} : memref<2x8192xf32, #tpu.memory_space<vmem>>, vector<16xf32>,
        %broadcast_in_dim3A_192 = arith.constant true
        %broadcast_in_dim3A_193 = vector.broadcast %broadcast_in_dim3A_192 : i1 to vector<16xi1>
        %masked_cumsum3A_194 = tpu.scan <sum>, %get3A_191 masked %broadcast_in_dim3A_193 : vector<16xf32>, vector<16xi1> -> vector<16xf32>
        %gather3A_195 = vector.shape_cast %broadcast_in_dim3A_90 : vector<16x1xi32> to vector<16xi32>
        %gather3A_196 = tpu.dynamic_gather %masked_cumsum3A_194[%gather3A_195] in [0] : vector<16xf32>, vector<16xi32> -> vector<16xf32>
        %add3A_197 = arith.constant 6 : i32
        %add3A_198 = arith.addi %mul3A_121, %add3A_197 : i32
        %mul3A_199 = arith.constant 16 : i32
        %mul3A_200 = arith.muli %add3A_198, %mul3A_199 : i32
        %get3A_201 = arith.constant 0 : i32
        %get3A_202 = arith.index_cast %get3A_201 : i32 to index
        %get3A_203 = arith.index_cast %mul3A_200 : i32 to index
        %get3A_204 = tpu.vector_load %arg5[%get3A_202, %get3A_203] {strides = array<i32>} : memref<2x8192xf32, #tpu.memory_space<vmem>>, vector<16xf32>,
        %broadcast_in_dim3A_205 = arith.constant true
        %broadcast_in_dim3A_206 = vector.broadcast %broadcast_in_dim3A_205 : i1 to vector<16xi1>
        %masked_cumsum3A_207 = tpu.scan <sum>, %get3A_204 masked %broadcast_in_dim3A_206 : vector<16xf32>, vector<16xi1> -> vector<16xf32>
        %gather3A_208 = vector.shape_cast %broadcast_in_dim3A_90 : vector<16x1xi32> to vector<16xi32>
        %gather3A_209 = tpu.dynamic_gather %masked_cumsum3A_207[%gather3A_208] in [0] : vector<16xf32>, vector<16xi32> -> vector<16xf32>
        %add3A_210 = arith.constant 7 : i32
        %add3A_211 = arith.addi %mul3A_121, %add3A_210 : i32
        %mul3A_212 = arith.constant 16 : i32
        %mul3A_213 = arith.muli %add3A_211, %mul3A_212 : i32
        %get3A_214 = arith.constant 0 : i32
        %get3A_215 = arith.index_cast %get3A_214 : i32 to index
        %get3A_216 = arith.index_cast %mul3A_213 : i32 to index
        %get3A_217 = tpu.vector_load %arg5[%get3A_215, %get3A_216] {strides = array<i32>} : memref<2x8192xf32, #tpu.memory_space<vmem>>, vector<16xf32>,
        %broadcast_in_dim3A_218 = arith.constant true
        %broadcast_in_dim3A_219 = vector.broadcast %broadcast_in_dim3A_218 : i1 to vector<16xi1>
        %masked_cumsum3A_220 = tpu.scan <sum>, %get3A_217 masked %broadcast_in_dim3A_219 : vector<16xf32>, vector<16xi1> -> vector<16xf32>
        %gather3A_221 = vector.shape_cast %broadcast_in_dim3A_90 : vector<16x1xi32> to vector<16xi32>
        %gather3A_222 = tpu.dynamic_gather %masked_cumsum3A_220[%gather3A_221] in [0] : vector<16xf32>, vector<16xi32> -> vector<16xf32>
        %add3A_223 = arith.addf %gather3A_222, %gather3A_209 : vector<16xf32>
        %add3A_224 = arith.addf %add3A_223, %gather3A_196 : vector<16xf32>
        %add3A_225 = arith.addf %add3A_224, %gather3A_183 : vector<16xf32>
        %add3A_226 = arith.addf %add3A_225, %gather3A_170 : vector<16xf32>
        %add3A_227 = arith.addf %add3A_226, %gather3A_157 : vector<16xf32>
        %add3A_228 = arith.addf %add3A_227, %gather3A_144 : vector<16xf32>
        %add3A_229 = arith.addf %add3A_228, %gather3A_131 : vector<16xf32>
        %sub3A_230 = arith.subf %gather3A_131, %masked_cumsum3A : vector<16xf32>
        %add3A_231 = arith.addf %sub3A_230, %get3A_128 : vector<16xf32>
        %add3A_232 = arith.addf %add3A_231, %add3A_228 : vector<16xf32>
        %add3A_233 = arith.addf %scan3A_118, %add3A_232 : vector<16xf32>
        %add3A_234 = arith.constant 0 : i32
        %add3A_235 = arith.addi %mul3A_121, %add3A_234 : i32
        %mul3A_236 = arith.constant 16 : i32
        %mul3A_237 = arith.muli %add3A_235, %mul3A_236 : i32
        %swap3A = arith.constant 0 : i32
        %swap3A_238 = arith.index_cast %swap3A : i32 to index
        %swap3A_239 = arith.index_cast %mul3A_237 : i32 to index
        %swap3A_240 = tpu.vector_load %arg7[%swap3A_238, %swap3A_239] {strides = array<i32>} : memref<2x8192xf32, #tpu.memory_space<vmem>>, vector<16xf32>,
        tpu.vector_store %arg7[%swap3A_238, %swap3A_239], %add3A_233 {strides = array<i32>} : memref<2x8192xf32, #tpu.memory_space<vmem>>, vector<16xf32>,
        %sub3A_241 = arith.subf %gather3A_144, %masked_cumsum3A_142 : vector<16xf32>
        %add3A_242 = arith.addf %sub3A_241, %get3A_139 : vector<16xf32>
        %add3A_243 = arith.addf %add3A_242, %add3A_227 : vector<16xf32>
        %add3A_244 = arith.addf %scan3A_118, %add3A_243 : vector<16xf32>
        %add3A_245 = arith.constant 1 : i32
        %add3A_246 = arith.addi %mul3A_121, %add3A_245 : i32
        %mul3A_247 = arith.constant 16 : i32
        %mul3A_248 = arith.muli %add3A_246, %mul3A_247 : i32
        %swap3A_249 = arith.constant 0 : i32
        %swap3A_250 = arith.index_cast %swap3A_249 : i32 to index
        %swap3A_251 = arith.index_cast %mul3A_248 : i32 to index
        %swap3A_252 = tpu.vector_load %arg7[%swap3A_250, %swap3A_251] {strides = array<i32>} : memref<2x8192xf32, #tpu.memory_space<vmem>>, vector<16xf32>,
        tpu.vector_store %arg7[%swap3A_250, %swap3A_251], %add3A_244 {strides = array<i32>} : memref<2x8192xf32, #tpu.memory_space<vmem>>, vector<16xf32>,
        %sub3A_253 = arith.subf %gather3A_157, %masked_cumsum3A_155 : vector<16xf32>
        %add3A_254 = arith.addf %sub3A_253, %get3A_152 : vector<16xf32>
        %add3A_255 = arith.addf %add3A_254, %add3A_226 : vector<16xf32>
        %add3A_256 = arith.addf %scan3A_118, %add3A_255 : vector<16xf32>
        %add3A_257 = arith.constant 2 : i32
        %add3A_258 = arith.addi %mul3A_121, %add3A_257 : i32
        %mul3A_259 = arith.constant 16 : i32
        %mul3A_260 = arith.muli %add3A_258, %mul3A_259 : i32
        %swap3A_261 = arith.constant 0 : i32
        %swap3A_262 = arith.index_cast %swap3A_261 : i32 to index
        %swap3A_263 = arith.index_cast %mul3A_260 : i32 to index
        %swap3A_264 = tpu.vector_load %arg7[%swap3A_262, %swap3A_263] {strides = array<i32>} : memref<2x8192xf32, #tpu.memory_space<vmem>>, vector<16xf32>,
        tpu.vector_store %arg7[%swap3A_262, %swap3A_263], %add3A_256 {strides = array<i32>} : memref<2x8192xf32, #tpu.memory_space<vmem>>, vector<16xf32>,
        %sub3A_265 = arith.subf %gather3A_170, %masked_cumsum3A_168 : vector<16xf32>
        %add3A_266 = arith.addf %sub3A_265, %get3A_165 : vector<16xf32>
        %add3A_267 = arith.addf %add3A_266, %add3A_225 : vector<16xf32>
        %add3A_268 = arith.addf %scan3A_118, %add3A_267 : vector<16xf32>
        %add3A_269 = arith.constant 3 : i32
        %add3A_270 = arith.addi %mul3A_121, %add3A_269 : i32
        %mul3A_271 = arith.constant 16 : i32
        %mul3A_272 = arith.muli %add3A_270, %mul3A_271 : i32
        %swap3A_273 = arith.constant 0 : i32
        %swap3A_274 = arith.index_cast %swap3A_273 : i32 to index
        %swap3A_275 = arith.index_cast %mul3A_272 : i32 to index
        %swap3A_276 = tpu.vector_load %arg7[%swap3A_274, %swap3A_275] {strides = array<i32>} : memref<2x8192xf32, #tpu.memory_space<vmem>>, vector<16xf32>,
        tpu.vector_store %arg7[%swap3A_274, %swap3A_275], %add3A_268 {strides = array<i32>} : memref<2x8192xf32, #tpu.memory_space<vmem>>, vector<16xf32>,
        %sub3A_277 = arith.subf %gather3A_183, %masked_cumsum3A_181 : vector<16xf32>
        %add3A_278 = arith.addf %sub3A_277, %get3A_178 : vector<16xf32>
        %add3A_279 = arith.addf %add3A_278, %add3A_224 : vector<16xf32>
        %add3A_280 = arith.addf %scan3A_118, %add3A_279 : vector<16xf32>
        %add3A_281 = arith.constant 4 : i32
        %add3A_282 = arith.addi %mul3A_121, %add3A_281 : i32
        %mul3A_283 = arith.constant 16 : i32
        %mul3A_284 = arith.muli %add3A_282, %mul3A_283 : i32
        %swap3A_285 = arith.constant 0 : i32
        %swap3A_286 = arith.index_cast %swap3A_285 : i32 to index
        %swap3A_287 = arith.index_cast %mul3A_284 : i32 to index
        %swap3A_288 = tpu.vector_load %arg7[%swap3A_286, %swap3A_287] {strides = array<i32>} : memref<2x8192xf32, #tpu.memory_space<vmem>>, vector<16xf32>,
        tpu.vector_store %arg7[%swap3A_286, %swap3A_287], %add3A_280 {strides = array<i32>} : memref<2x8192xf32, #tpu.memory_space<vmem>>, vector<16xf32>,
        %sub3A_289 = arith.subf %gather3A_196, %masked_cumsum3A_194 : vector<16xf32>
        %add3A_290 = arith.addf %sub3A_289, %get3A_191 : vector<16xf32>
        %add3A_291 = arith.addf %add3A_290, %add3A_223 : vector<16xf32>
        %add3A_292 = arith.addf %scan3A_118, %add3A_291 : vector<16xf32>
        %add3A_293 = arith.constant 5 : i32
        %add3A_294 = arith.addi %mul3A_121, %add3A_293 : i32
        %mul3A_295 = arith.constant 16 : i32
        %mul3A_296 = arith.muli %add3A_294, %mul3A_295 : i32
        %swap3A_297 = arith.constant 0 : i32
        %swap3A_298 = arith.index_cast %swap3A_297 : i32 to index
        %swap3A_299 = arith.index_cast %mul3A_296 : i32 to index
        %swap3A_300 = tpu.vector_load %arg7[%swap3A_298, %swap3A_299] {strides = array<i32>} : memref<2x8192xf32, #tpu.memory_space<vmem>>, vector<16xf32>,
        tpu.vector_store %arg7[%swap3A_298, %swap3A_299], %add3A_292 {strides = array<i32>} : memref<2x8192xf32, #tpu.memory_space<vmem>>, vector<16xf32>,
        %sub3A_301 = arith.subf %gather3A_209, %masked_cumsum3A_207 : vector<16xf32>
        %add3A_302 = arith.addf %sub3A_301, %get3A_204 : vector<16xf32>
        %add3A_303 = arith.addf %add3A_302, %gather3A_222 : vector<16xf32>
        %add3A_304 = arith.addf %scan3A_118, %add3A_303 : vector<16xf32>
        %add3A_305 = arith.constant 6 : i32
        %add3A_306 = arith.addi %mul3A_121, %add3A_305 : i32
        %mul3A_307 = arith.constant 16 : i32
        %mul3A_308 = arith.muli %add3A_306, %mul3A_307 : i32
        %swap3A_309 = arith.constant 0 : i32
        %swap3A_310 = arith.index_cast %swap3A_309 : i32 to index
        %swap3A_311 = arith.index_cast %mul3A_308 : i32 to index
        %swap3A_312 = tpu.vector_load %arg7[%swap3A_310, %swap3A_311] {strides = array<i32>} : memref<2x8192xf32, #tpu.memory_space<vmem>>, vector<16xf32>,
        tpu.vector_store %arg7[%swap3A_310, %swap3A_311], %add3A_304 {strides = array<i32>} : memref<2x8192xf32, #tpu.memory_space<vmem>>, vector<16xf32>,
        %sub3A_313 = arith.subf %gather3A_222, %masked_cumsum3A_220 : vector<16xf32>
        %add3A_314 = arith.addf %sub3A_313, %get3A_217 : vector<16xf32>
        %add3A_315 = arith.addf %scan3A_118, %add3A_314 : vector<16xf32>
        %add3A_316 = arith.constant 7 : i32
        %add3A_317 = arith.addi %mul3A_121, %add3A_316 : i32
        %mul3A_318 = arith.constant 16 : i32
        %mul3A_319 = arith.muli %add3A_317, %mul3A_318 : i32
        %swap3A_320 = arith.constant 0 : i32
        %swap3A_321 = arith.index_cast %swap3A_320 : i32 to index
        %swap3A_322 = arith.index_cast %mul3A_319 : i32 to index
        %swap3A_323 = tpu.vector_load %arg7[%swap3A_321, %swap3A_322] {strides = array<i32>} : memref<2x8192xf32, #tpu.memory_space<vmem>>, vector<16xf32>,
        tpu.vector_store %arg7[%swap3A_321, %swap3A_322], %add3A_315 {strides = array<i32>} : memref<2x8192xf32, #tpu.memory_space<vmem>>, vector<16xf32>,
        %add3A_324 = arith.addf %scan3A_118, %add3A_229 : vector<16xf32>
        scf.yield %add3A_324 : vector<16xf32>
      }
      %scan3A_98 = arith.constant 64 : i32
      %broadcast_in_dim3A_99 = arith.constant 0.000000e+00 : f32
      %broadcast_in_dim3A_100 = vector.broadcast %broadcast_in_dim3A_99 : f32 to vector<16xf32>
      %scan3A_101 = arith.constant 0 : i32
      %scan3A_102 = arith.constant 64 : i32
      %scan3A_103 = arith.addi %scan3A_101, %scan3A_102 : i32
      %scan3A_104 = arith.constant 1 : i32
      %scan3A_105 = scf.for %scan3A_117 = %scan3A_101 to %scan3A_103 step %scan3A_104 iter_args(%scan3A_118 = %broadcast_in_dim3A_100) -> (vector<16xf32>)  : i32 {
        %sub3A = arith.constant 63 : i32
        %sub3A_119 = arith.subi %sub3A, %scan3A_117 : i32
        %mul3A_120 = arith.constant 8 : i32
        %mul3A_121 = arith.muli %sub3A_119, %mul3A_120 : i32
        %add3A_122 = arith.constant 0 : i32
        %add3A_123 = arith.addi %mul3A_121, %add3A_122 : i32
        %mul3A_124 = arith.constant 16 : i32
        %mul3A_125 = arith.muli %add3A_123, %mul3A_124 : i32
        %get3A = arith.constant 1 : i32
        %get3A_126 = arith.index_cast %get3A : i32 to index
        %get3A_127 = arith.index_cast %mul3A_125 : i32 to index
        %get3A_128 = tpu.vector_load %arg5[%get3A_126, %get3A_127] {strides = array<i32>} : memref<2x8192xf32, #tpu.memory_space<vmem>>, vector<16xf32>,
        %broadcast_in_dim3A_129 = arith.constant true
        %broadcast_in_dim3A_130 = vector.broadcast %broadcast_in_dim3A_129 : i1 to vector<16xi1>
        %masked_cumsum3A = tpu.scan <sum>, %get3A_128 masked %broadcast_in_dim3A_130 : vector<16xf32>, vector<16xi1> -> vector<16xf32>
        %gather3A = vector.shape_cast %broadcast_in_dim3A_90 : vector<16x1xi32> to vector<16xi32>
        %gather3A_131 = tpu.dynamic_gather %masked_cumsum3A[%gather3A] in [0] : vector<16xf32>, vector<16xi32> -> vector<16xf32>
        %add3A_132 = arith.constant 1 : i32
        %add3A_133 = arith.addi %mul3A_121, %add3A_132 : i32
        %mul3A_134 = arith.constant 16 : i32
        %mul3A_135 = arith.muli %add3A_133, %mul3A_134 : i32
        %get3A_136 = arith.constant 1 : i32
        %get3A_137 = arith.index_cast %get3A_136 : i32 to index
        %get3A_138 = arith.index_cast %mul3A_135 : i32 to index
        %get3A_139 = tpu.vector_load %arg5[%get3A_137, %get3A_138] {strides = array<i32>} : memref<2x8192xf32, #tpu.memory_space<vmem>>, vector<16xf32>,
        %broadcast_in_dim3A_140 = arith.constant true
        %broadcast_in_dim3A_141 = vector.broadcast %broadcast_in_dim3A_140 : i1 to vector<16xi1>
        %masked_cumsum3A_142 = tpu.scan <sum>, %get3A_139 masked %broadcast_in_dim3A_141 : vector<16xf32>, vector<16xi1> -> vector<16xf32>
        %gather3A_143 = vector.shape_cast %broadcast_in_dim3A_90 : vector<16x1xi32> to vector<16xi32>
        %gather3A_144 = tpu.dynamic_gather %masked_cumsum3A_142[%gather3A_143] in [0] : vector<16xf32>, vector<16xi32> -> vector<16xf32>
        %add3A_145 = arith.constant 2 : i32
        %add3A_146 = arith.addi %mul3A_121, %add3A_145 : i32
        %mul3A_147 = arith.constant 16 : i32
        %mul3A_148 = arith.muli %add3A_146, %mul3A_147 : i32
        %get3A_149 = arith.constant 1 : i32
        %get3A_150 = arith.index_cast %get3A_149 : i32 to index
        %get3A_151 = arith.index_cast %mul3A_148 : i32 to index
        %get3A_152 = tpu.vector_load %arg5[%get3A_150, %get3A_151] {strides = array<i32>} : memref<2x8192xf32, #tpu.memory_space<vmem>>, vector<16xf32>,
        %broadcast_in_dim3A_153 = arith.constant true
        %broadcast_in_dim3A_154 = vector.broadcast %broadcast_in_dim3A_153 : i1 to vector<16xi1>
        %masked_cumsum3A_155 = tpu.scan <sum>, %get3A_152 masked %broadcast_in_dim3A_154 : vector<16xf32>, vector<16xi1> -> vector<16xf32>
        %gather3A_156 = vector.shape_cast %broadcast_in_dim3A_90 : vector<16x1xi32> to vector<16xi32>
        %gather3A_157 = tpu.dynamic_gather %masked_cumsum3A_155[%gather3A_156] in [0] : vector<16xf32>, vector<16xi32> -> vector<16xf32>
        %add3A_158 = arith.constant 3 : i32
        %add3A_159 = arith.addi %mul3A_121, %add3A_158 : i32
        %mul3A_160 = arith.constant 16 : i32
        %mul3A_161 = arith.muli %add3A_159, %mul3A_160 : i32
        %get3A_162 = arith.constant 1 : i32
        %get3A_163 = arith.index_cast %get3A_162 : i32 to index
        %get3A_164 = arith.index_cast %mul3A_161 : i32 to index
        %get3A_165 = tpu.vector_load %arg5[%get3A_163, %get3A_164] {strides = array<i32>} : memref<2x8192xf32, #tpu.memory_space<vmem>>, vector<16xf32>,
        %broadcast_in_dim3A_166 = arith.constant true
        %broadcast_in_dim3A_167 = vector.broadcast %broadcast_in_dim3A_166 : i1 to vector<16xi1>
        %masked_cumsum3A_168 = tpu.scan <sum>, %get3A_165 masked %broadcast_in_dim3A_167 : vector<16xf32>, vector<16xi1> -> vector<16xf32>
        %gather3A_169 = vector.shape_cast %broadcast_in_dim3A_90 : vector<16x1xi32> to vector<16xi32>
        %gather3A_170 = tpu.dynamic_gather %masked_cumsum3A_168[%gather3A_169] in [0] : vector<16xf32>, vector<16xi32> -> vector<16xf32>
        %add3A_171 = arith.constant 4 : i32
        %add3A_172 = arith.addi %mul3A_121, %add3A_171 : i32
        %mul3A_173 = arith.constant 16 : i32
        %mul3A_174 = arith.muli %add3A_172, %mul3A_173 : i32
        %get3A_175 = arith.constant 1 : i32
        %get3A_176 = arith.index_cast %get3A_175 : i32 to index
        %get3A_177 = arith.index_cast %mul3A_174 : i32 to index
        %get3A_178 = tpu.vector_load %arg5[%get3A_176, %get3A_177] {strides = array<i32>} : memref<2x8192xf32, #tpu.memory_space<vmem>>, vector<16xf32>,
        %broadcast_in_dim3A_179 = arith.constant true
        %broadcast_in_dim3A_180 = vector.broadcast %broadcast_in_dim3A_179 : i1 to vector<16xi1>
        %masked_cumsum3A_181 = tpu.scan <sum>, %get3A_178 masked %broadcast_in_dim3A_180 : vector<16xf32>, vector<16xi1> -> vector<16xf32>
        %gather3A_182 = vector.shape_cast %broadcast_in_dim3A_90 : vector<16x1xi32> to vector<16xi32>
        %gather3A_183 = tpu.dynamic_gather %masked_cumsum3A_181[%gather3A_182] in [0] : vector<16xf32>, vector<16xi32> -> vector<16xf32>
        %add3A_184 = arith.constant 5 : i32
        %add3A_185 = arith.addi %mul3A_121, %add3A_184 : i32
        %mul3A_186 = arith.constant 16 : i32
        %mul3A_187 = arith.muli %add3A_185, %mul3A_186 : i32
        %get3A_188 = arith.constant 1 : i32
        %get3A_189 = arith.index_cast %get3A_188 : i32 to index
        %get3A_190 = arith.index_cast %mul3A_187 : i32 to index
        %get3A_191 = tpu.vector_load %arg5[%get3A_189, %get3A_190] {strides = array<i32>} : memref<2x8192xf32, #tpu.memory_space<vmem>>, vector<16xf32>,
        %broadcast_in_dim3A_192 = arith.constant true
        %broadcast_in_dim3A_193 = vector.broadcast %broadcast_in_dim3A_192 : i1 to vector<16xi1>
        %masked_cumsum3A_194 = tpu.scan <sum>, %get3A_191 masked %broadcast_in_dim3A_193 : vector<16xf32>, vector<16xi1> -> vector<16xf32>
        %gather3A_195 = vector.shape_cast %broadcast_in_dim3A_90 : vector<16x1xi32> to vector<16xi32>
        %gather3A_196 = tpu.dynamic_gather %masked_cumsum3A_194[%gather3A_195] in [0] : vector<16xf32>, vector<16xi32> -> vector<16xf32>
        %add3A_197 = arith.constant 6 : i32
        %add3A_198 = arith.addi %mul3A_121, %add3A_197 : i32
        %mul3A_199 = arith.constant 16 : i32
        %mul3A_200 = arith.muli %add3A_198, %mul3A_199 : i32
        %get3A_201 = arith.constant 1 : i32
        %get3A_202 = arith.index_cast %get3A_201 : i32 to index
        %get3A_203 = arith.index_cast %mul3A_200 : i32 to index
        %get3A_204 = tpu.vector_load %arg5[%get3A_202, %get3A_203] {strides = array<i32>} : memref<2x8192xf32, #tpu.memory_space<vmem>>, vector<16xf32>,
        %broadcast_in_dim3A_205 = arith.constant true
        %broadcast_in_dim3A_206 = vector.broadcast %broadcast_in_dim3A_205 : i1 to vector<16xi1>
        %masked_cumsum3A_207 = tpu.scan <sum>, %get3A_204 masked %broadcast_in_dim3A_206 : vector<16xf32>, vector<16xi1> -> vector<16xf32>
        %gather3A_208 = vector.shape_cast %broadcast_in_dim3A_90 : vector<16x1xi32> to vector<16xi32>
        %gather3A_209 = tpu.dynamic_gather %masked_cumsum3A_207[%gather3A_208] in [0] : vector<16xf32>, vector<16xi32> -> vector<16xf32>
        %add3A_210 = arith.constant 7 : i32
        %add3A_211 = arith.addi %mul3A_121, %add3A_210 : i32
        %mul3A_212 = arith.constant 16 : i32
        %mul3A_213 = arith.muli %add3A_211, %mul3A_212 : i32
        %get3A_214 = arith.constant 1 : i32
        %get3A_215 = arith.index_cast %get3A_214 : i32 to index
        %get3A_216 = arith.index_cast %mul3A_213 : i32 to index
        %get3A_217 = tpu.vector_load %arg5[%get3A_215, %get3A_216] {strides = array<i32>} : memref<2x8192xf32, #tpu.memory_space<vmem>>, vector<16xf32>,
        %broadcast_in_dim3A_218 = arith.constant true
        %broadcast_in_dim3A_219 = vector.broadcast %broadcast_in_dim3A_218 : i1 to vector<16xi1>
        %masked_cumsum3A_220 = tpu.scan <sum>, %get3A_217 masked %broadcast_in_dim3A_219 : vector<16xf32>, vector<16xi1> -> vector<16xf32>
        %gather3A_221 = vector.shape_cast %broadcast_in_dim3A_90 : vector<16x1xi32> to vector<16xi32>
        %gather3A_222 = tpu.dynamic_gather %masked_cumsum3A_220[%gather3A_221] in [0] : vector<16xf32>, vector<16xi32> -> vector<16xf32>
        %add3A_223 = arith.addf %gather3A_222, %gather3A_209 : vector<16xf32>
        %add3A_224 = arith.addf %add3A_223, %gather3A_196 : vector<16xf32>
        %add3A_225 = arith.addf %add3A_224, %gather3A_183 : vector<16xf32>
        %add3A_226 = arith.addf %add3A_225, %gather3A_170 : vector<16xf32>
        %add3A_227 = arith.addf %add3A_226, %gather3A_157 : vector<16xf32>
        %add3A_228 = arith.addf %add3A_227, %gather3A_144 : vector<16xf32>
        %add3A_229 = arith.addf %add3A_228, %gather3A_131 : vector<16xf32>
        %sub3A_230 = arith.subf %gather3A_131, %masked_cumsum3A : vector<16xf32>
        %add3A_231 = arith.addf %sub3A_230, %get3A_128 : vector<16xf32>
        %add3A_232 = arith.addf %add3A_231, %add3A_228 : vector<16xf32>
        %add3A_233 = arith.addf %scan3A_118, %add3A_232 : vector<16xf32>
        %add3A_234 = arith.constant 0 : i32
        %add3A_235 = arith.addi %mul3A_121, %add3A_234 : i32
        %mul3A_236 = arith.constant 16 : i32
        %mul3A_237 = arith.muli %add3A_235, %mul3A_236 : i32
        %swap3A = arith.constant 1 : i32
        %swap3A_238 = arith.index_cast %swap3A : i32 to index
        %swap3A_239 = arith.index_cast %mul3A_237 : i32 to index
        %swap3A_240 = tpu.vector_load %arg7[%swap3A_238, %swap3A_239] {strides = array<i32>} : memref<2x8192xf32, #tpu.memory_space<vmem>>, vector<16xf32>,
        tpu.vector_store %arg7[%swap3A_238, %swap3A_239], %add3A_233 {strides = array<i32>} : memref<2x8192xf32, #tpu.memory_space<vmem>>, vector<16xf32>,
        %sub3A_241 = arith.subf %gather3A_144, %masked_cumsum3A_142 : vector<16xf32>
        %add3A_242 = arith.addf %sub3A_241, %get3A_139 : vector<16xf32>
        %add3A_243 = arith.addf %add3A_242, %add3A_227 : vector<16xf32>
        %add3A_244 = arith.addf %scan3A_118, %add3A_243 : vector<16xf32>
        %add3A_245 = arith.constant 1 : i32
        %add3A_246 = arith.addi %mul3A_121, %add3A_245 : i32
        %mul3A_247 = arith.constant 16 : i32
        %mul3A_248 = arith.muli %add3A_246, %mul3A_247 : i32
        %swap3A_249 = arith.constant 1 : i32
        %swap3A_250 = arith.index_cast %swap3A_249 : i32 to index
        %swap3A_251 = arith.index_cast %mul3A_248 : i32 to index
        %swap3A_252 = tpu.vector_load %arg7[%swap3A_250, %swap3A_251] {strides = array<i32>} : memref<2x8192xf32, #tpu.memory_space<vmem>>, vector<16xf32>,
        tpu.vector_store %arg7[%swap3A_250, %swap3A_251], %add3A_244 {strides = array<i32>} : memref<2x8192xf32, #tpu.memory_space<vmem>>, vector<16xf32>,
        %sub3A_253 = arith.subf %gather3A_157, %masked_cumsum3A_155 : vector<16xf32>
        %add3A_254 = arith.addf %sub3A_253, %get3A_152 : vector<16xf32>
        %add3A_255 = arith.addf %add3A_254, %add3A_226 : vector<16xf32>
        %add3A_256 = arith.addf %scan3A_118, %add3A_255 : vector<16xf32>
        %add3A_257 = arith.constant 2 : i32
        %add3A_258 = arith.addi %mul3A_121, %add3A_257 : i32
        %mul3A_259 = arith.constant 16 : i32
        %mul3A_260 = arith.muli %add3A_258, %mul3A_259 : i32
        %swap3A_261 = arith.constant 1 : i32
        %swap3A_262 = arith.index_cast %swap3A_261 : i32 to index
        %swap3A_263 = arith.index_cast %mul3A_260 : i32 to index
        %swap3A_264 = tpu.vector_load %arg7[%swap3A_262, %swap3A_263] {strides = array<i32>} : memref<2x8192xf32, #tpu.memory_space<vmem>>, vector<16xf32>,
        tpu.vector_store %arg7[%swap3A_262, %swap3A_263], %add3A_256 {strides = array<i32>} : memref<2x8192xf32, #tpu.memory_space<vmem>>, vector<16xf32>,
        %sub3A_265 = arith.subf %gather3A_170, %masked_cumsum3A_168 : vector<16xf32>
        %add3A_266 = arith.addf %sub3A_265, %get3A_165 : vector<16xf32>
        %add3A_267 = arith.addf %add3A_266, %add3A_225 : vector<16xf32>
        %add3A_268 = arith.addf %scan3A_118, %add3A_267 : vector<16xf32>
        %add3A_269 = arith.constant 3 : i32
        %add3A_270 = arith.addi %mul3A_121, %add3A_269 : i32
        %mul3A_271 = arith.constant 16 : i32
        %mul3A_272 = arith.muli %add3A_270, %mul3A_271 : i32
        %swap3A_273 = arith.constant 1 : i32
        %swap3A_274 = arith.index_cast %swap3A_273 : i32 to index
        %swap3A_275 = arith.index_cast %mul3A_272 : i32 to index
        %swap3A_276 = tpu.vector_load %arg7[%swap3A_274, %swap3A_275] {strides = array<i32>} : memref<2x8192xf32, #tpu.memory_space<vmem>>, vector<16xf32>,
        tpu.vector_store %arg7[%swap3A_274, %swap3A_275], %add3A_268 {strides = array<i32>} : memref<2x8192xf32, #tpu.memory_space<vmem>>, vector<16xf32>,
        %sub3A_277 = arith.subf %gather3A_183, %masked_cumsum3A_181 : vector<16xf32>
        %add3A_278 = arith.addf %sub3A_277, %get3A_178 : vector<16xf32>
        %add3A_279 = arith.addf %add3A_278, %add3A_224 : vector<16xf32>
        %add3A_280 = arith.addf %scan3A_118, %add3A_279 : vector<16xf32>
        %add3A_281 = arith.constant 4 : i32
        %add3A_282 = arith.addi %mul3A_121, %add3A_281 : i32
        %mul3A_283 = arith.constant 16 : i32
        %mul3A_284 = arith.muli %add3A_282, %mul3A_283 : i32
        %swap3A_285 = arith.constant 1 : i32
        %swap3A_286 = arith.index_cast %swap3A_285 : i32 to index
        %swap3A_287 = arith.index_cast %mul3A_284 : i32 to index
        %swap3A_288 = tpu.vector_load %arg7[%swap3A_286, %swap3A_287] {strides = array<i32>} : memref<2x8192xf32, #tpu.memory_space<vmem>>, vector<16xf32>,
        tpu.vector_store %arg7[%swap3A_286, %swap3A_287], %add3A_280 {strides = array<i32>} : memref<2x8192xf32, #tpu.memory_space<vmem>>, vector<16xf32>,
        %sub3A_289 = arith.subf %gather3A_196, %masked_cumsum3A_194 : vector<16xf32>
        %add3A_290 = arith.addf %sub3A_289, %get3A_191 : vector<16xf32>
        %add3A_291 = arith.addf %add3A_290, %add3A_223 : vector<16xf32>
        %add3A_292 = arith.addf %scan3A_118, %add3A_291 : vector<16xf32>
        %add3A_293 = arith.constant 5 : i32
        %add3A_294 = arith.addi %mul3A_121, %add3A_293 : i32
        %mul3A_295 = arith.constant 16 : i32
        %mul3A_296 = arith.muli %add3A_294, %mul3A_295 : i32
        %swap3A_297 = arith.constant 1 : i32
        %swap3A_298 = arith.index_cast %swap3A_297 : i32 to index
        %swap3A_299 = arith.index_cast %mul3A_296 : i32 to index
        %swap3A_300 = tpu.vector_load %arg7[%swap3A_298, %swap3A_299] {strides = array<i32>} : memref<2x8192xf32, #tpu.memory_space<vmem>>, vector<16xf32>,
        tpu.vector_store %arg7[%swap3A_298, %swap3A_299], %add3A_292 {strides = array<i32>} : memref<2x8192xf32, #tpu.memory_space<vmem>>, vector<16xf32>,
        %sub3A_301 = arith.subf %gather3A_209, %masked_cumsum3A_207 : vector<16xf32>
        %add3A_302 = arith.addf %sub3A_301, %get3A_204 : vector<16xf32>
        %add3A_303 = arith.addf %add3A_302, %gather3A_222 : vector<16xf32>
        %add3A_304 = arith.addf %scan3A_118, %add3A_303 : vector<16xf32>
        %add3A_305 = arith.constant 6 : i32
        %add3A_306 = arith.addi %mul3A_121, %add3A_305 : i32
        %mul3A_307 = arith.constant 16 : i32
        %mul3A_308 = arith.muli %add3A_306, %mul3A_307 : i32
        %swap3A_309 = arith.constant 1 : i32
        %swap3A_310 = arith.index_cast %swap3A_309 : i32 to index
        %swap3A_311 = arith.index_cast %mul3A_308 : i32 to index
        %swap3A_312 = tpu.vector_load %arg7[%swap3A_310, %swap3A_311] {strides = array<i32>} : memref<2x8192xf32, #tpu.memory_space<vmem>>, vector<16xf32>,
        tpu.vector_store %arg7[%swap3A_310, %swap3A_311], %add3A_304 {strides = array<i32>} : memref<2x8192xf32, #tpu.memory_space<vmem>>, vector<16xf32>,
        %sub3A_313 = arith.subf %gather3A_222, %masked_cumsum3A_220 : vector<16xf32>
        %add3A_314 = arith.addf %sub3A_313, %get3A_217 : vector<16xf32>
        %add3A_315 = arith.addf %scan3A_118, %add3A_314 : vector<16xf32>
        %add3A_316 = arith.constant 7 : i32
        %add3A_317 = arith.addi %mul3A_121, %add3A_316 : i32
        %mul3A_318 = arith.constant 16 : i32
        %mul3A_319 = arith.muli %add3A_317, %mul3A_318 : i32
        %swap3A_320 = arith.constant 1 : i32
        %swap3A_321 = arith.index_cast %swap3A_320 : i32 to index
        %swap3A_322 = arith.index_cast %mul3A_319 : i32 to index
        %swap3A_323 = tpu.vector_load %arg7[%swap3A_321, %swap3A_322] {strides = array<i32>} : memref<2x8192xf32, #tpu.memory_space<vmem>>, vector<16xf32>,
        tpu.vector_store %arg7[%swap3A_321, %swap3A_322], %add3A_315 {strides = array<i32>} : memref<2x8192xf32, #tpu.memory_space<vmem>>, vector<16xf32>,
        %add3A_324 = arith.addf %scan3A_118, %add3A_229 : vector<16xf32>
        scf.yield %add3A_324 : vector<16xf32>
      }
      %scan3A_106 = arith.constant 64 : i32
      %add3A_107 = arith.constant 1 : i32
      %add3A_108 = arith.addi %mul3A_28, %add3A_107 : i32
      %mul3A_109 = arith.constant 2 : i32
      %mul3A_110 = arith.muli %add3A_108, %mul3A_109 : i32
      %add3A_111 = arith.addi %mul3A_2, %mul3A_110 : i32
      %dma_start3A_112 = arith.constant 0 : i32
      %dma_start3A_113 = tpu.memref_slice %arg3[%add3A_111, %dma_start3A_112] : memref<4096x8192xf32, #tpu.memory_space<hbm>> -> memref<2x8192xf32, #tpu.memory_space<hbm>>
      %dma_start3A_114 = arith.constant 0 : i32
      %dma_start3A_115 = tpu.memref_slice %arg3[%add3A_111, %dma_start3A_114] : memref<4096x8192xf32, #tpu.memory_space<hbm>> -> memref<2x8192xf32, #tpu.memory_space<hbm>>
      tpu.enqueue_dma source(%arg7 : memref<2x8192xf32, #tpu.memory_space<vmem>>) target(%dma_start3A_115 : memref<2x8192xf32, #tpu.memory_space<hbm>>) target_semaphore(%arg11 : memref<!tpu.dma_semaphore, #tpu.memory_space<semaphore_mem>>)
      %scan3A_116 = arith.constant 0 : i32
      scf.yield %scan3A_116 : i32
    }
    %scan3A_13 = arith.constant 16 : i32
    %add3A_14 = arith.constant 60 : i32
    %add3A_15 = arith.addi %mul3A_2, %add3A_14 : i32
    %dma_wait3A = arith.constant 0 : i32
    %dma_wait3A_16 = tpu.memref_slice %arg3[%add3A_15, %dma_wait3A] : memref<4096x8192xf32, #tpu.memory_space<hbm>> -> memref<2x8192xf32, #tpu.memory_space<hbm>>
    %dma_wait3A_17 = arith.constant 0 : i32
    %dma_wait3A_18 = tpu.memref_slice %arg3[%add3A_15, %dma_wait3A_17] : memref<4096x8192xf32, #tpu.memory_space<hbm>> -> memref<2x8192xf32, #tpu.memory_space<hbm>>
    tpu.wait_dma2 semaphore(%arg10 : memref<!tpu.dma_semaphore, #tpu.memory_space<semaphore_mem>>) src(%arg6 : memref<2x8192xf32, #tpu.memory_space<vmem>>) dst(%dma_wait3A_18 : memref<2x8192xf32, #tpu.memory_space<hbm>>)
    %add3A_19 = arith.constant 62 : i32
    %add3A_20 = arith.addi %mul3A_2, %add3A_19 : i32
    %dma_wait3A_21 = arith.constant 0 : i32
    %dma_wait3A_22 = tpu.memref_slice %arg3[%add3A_20, %dma_wait3A_21] : memref<4096x8192xf32, #tpu.memory_space<hbm>> -> memref<2x8192xf32, #tpu.memory_space<hbm>>
    %dma_wait3A_23 = arith.constant 0 : i32
    %dma_wait3A_24 = tpu.memref_slice %arg3[%add3A_20, %dma_wait3A_23] : memref<4096x8192xf32, #tpu.memory_space<hbm>> -> memref<2x8192xf32, #tpu.memory_space<hbm>>
    tpu.wait_dma2 semaphore(%arg11 : memref<!tpu.dma_semaphore, #tpu.memory_space<semaphore_mem>>) src(%arg7 : memref<2x8192xf32, #tpu.memory_space<vmem>>) dst(%dma_wait3A_24 : memref<2x8192xf32, #tpu.memory_space<hbm>>)
    return
  }
}

module attributes {stable_mosaic.version = 14 : i64} {
  func.func @_tc_kernel(%arg0: i32, %arg1: memref<2048x512xf32, #tpu.memory_space<vmem>>, %arg2: memref<4096x8192xf32, #tpu.memory_space<any>>, %arg3: memref<2048x512xf32, #tpu.memory_space<vmem>>, %arg4: memref<2048x1xf32, #tpu.memory_space<vmem>>) attributes {dimension_semantics = [#tpu.dimension_semantics<arbitrary>], iteration_bounds = array<i64: 16>, scalar_prefetch = 0 : i64, scratch_operands = 1 : i64, tpu.core_type = #tpu.core_type<tc>, window_params = [{transform_indices = @transform_0, window_bounds = array<i64: 2048, 512>}, {}, {transform_indices = @transform_2, window_bounds = array<i64: 2048, 512>}]} {
    %eq3A = arith.constant 0 : i32
    %eq3A_0 = arith.cmpi eq, %arg0, %eq3A : i32
    %convert_element_type3A = arith.extui %eq3A_0 : i1 to i32
    %cond3A = arith.constant 0 : i32
    %cond3A_1 = arith.cmpi ne, %convert_element_type3A, %cond3A : i32
    scf.if %cond3A_1 {
      %broadcast_in_dim3A = arith.constant 0.000000e+00 : f32
      %broadcast_in_dim3A_21 = vector.broadcast %broadcast_in_dim3A : f32 to vector<2048x1xf32>
      %swap3A_22 = arith.constant 0 : index
      %swap3A_23 = arith.constant 0 : index
      %swap3A_24 = vector.load %arg4[%swap3A_22, %swap3A_23] : memref<2048x1xf32, #tpu.memory_space<vmem>>, vector<2048x1xf32>
      tpu.vector_store %arg4[%swap3A_22, %swap3A_23], %broadcast_in_dim3A_21 {strides = array<i32>} : memref<2048x1xf32, #tpu.memory_space<vmem>>, vector<2048x1xf32>,
    } else {
    }
    %get3A = arith.constant 0 : index
    %get3A_2 = arith.constant 0 : index
    %get3A_3 = vector.load %arg1[%get3A, %get3A_2] : memref<2048x512xf32, #tpu.memory_space<vmem>>, vector<2048x512xf32>
    %iota3A = tpu.iota {dimensions = array<i32: 0>} : vector<512x512xi32>
    %iota3A_4 = tpu.iota {dimensions = array<i32: 1>} : vector<512x512xi32>
    %ge3A = arith.cmpi sge, %iota3A, %iota3A_4 : vector<512x512xi32>
    %convert_element_type3A_5 = arith.extui %ge3A : vector<512x512xi1> to vector<512x512xi32>
    %convert_element_type3A_6 = arith.sitofp %convert_element_type3A_5 : vector<512x512xi32> to vector<512x512xf32>
    %dot_general3A = arith.constant dense<0.000000e+00> : vector<2048x512xf32>
    %dot_general3A_7 = tpu.matmul %get3A_3, %convert_element_type3A_6, %dot_general3A {dimension_numbers = #tpu.dot_dimension_numbers<[1], [0], [0], [1], [0, 0, 1, 1], [], []>, transpose_lhs_hint = false} : vector<2048x512xf32>, vector<512x512xf32>, vector<2048x512xf32> -> vector<2048x512xf32>
    %get3A_8 = arith.constant 0 : index
    %get3A_9 = arith.constant 0 : index
    %get3A_10 = vector.load %arg4[%get3A_8, %get3A_9] : memref<2048x1xf32, #tpu.memory_space<vmem>>, vector<2048x1xf32>
    %add3A = vector.broadcast %get3A_10 : vector<2048x1xf32> to vector<2048x512xf32>
    %add3A_11 = arith.addf %dot_general3A_7, %add3A : vector<2048x512xf32>
    %swap3A = arith.constant 0 : index
    %swap3A_12 = arith.constant 0 : index
    %swap3A_13 = vector.load %arg3[%swap3A, %swap3A_12] : memref<2048x512xf32, #tpu.memory_space<vmem>>, vector<2048x512xf32>
    tpu.vector_store %arg3[%swap3A, %swap3A_12], %add3A_11 {strides = array<i32>} : memref<2048x512xf32, #tpu.memory_space<vmem>>, vector<2048x512xf32>,
    %get3A_14 = arith.constant 0 : index
    %get3A_15 = arith.constant 0 : index
    %get3A_16 = vector.load %arg4[%get3A_14, %get3A_15] : memref<2048x1xf32, #tpu.memory_space<vmem>>, vector<2048x1xf32>
    %slice3A = vector.extract_strided_slice %dot_general3A_7 {offsets = [0, 0], sizes = [2048, 1], strides = [1, 1]} : vector<2048x512xf32> to vector<2048x1xf32>
    %add3A_17 = arith.addf %get3A_16, %slice3A : vector<2048x1xf32>
    %swap3A_18 = arith.constant 0 : index
    %swap3A_19 = arith.constant 0 : index
    %swap3A_20 = vector.load %arg4[%swap3A_18, %swap3A_19] : memref<2048x1xf32, #tpu.memory_space<vmem>>, vector<2048x1xf32>
    tpu.vector_store %arg4[%swap3A_18, %swap3A_19], %add3A_17 {strides = array<i32>} : memref<2048x1xf32, #tpu.memory_space<vmem>>, vector<2048x1xf32>,
    return
  }
  func.func @transform_0(%arg0: i32) -> (i32, i32) {
    %sub3A = arith.constant 15 : i32
    %sub3A_0 = arith.subi %sub3A, %arg0 : i32
    %c1_i32 = arith.constant 1 : i32
    %c0_i32 = arith.constant 0 : i32
    return %c1_i32, %sub3A_0 : i32, i32
  }
  func.func @transform_2(%arg0: i32) -> (i32, i32) {
    %sub3A = arith.constant 15 : i32
    %sub3A_0 = arith.subi %sub3A, %arg0 : i32
    %c1_i32 = arith.constant 1 : i32
    %c0_i32 = arith.constant 0 : i32
    return %c1_i32, %sub3A_0 : i32, i32
  }
}

</mosaic_0001>

<sc_bundles>
// kernel: kernel.4.cloned.1.call-start
scs
__scs_entry_jumppad:
0x0: {  	(pc) =	sbr.rel $0x88, $3  }
0x1: {  	(tag) =	ssettag $0x0;
	lr =	simm.s32 $0x1  }
0x2: {  	[smem:$0x3FA0] =	sst lr;
	_ =	strace $0xD0000000  }
0x3: {  	_ = 	snop  }
0x4: {  	_ = 	snop  }
0x5: {  	_ = 	snop  }
0x6: {  	_ = 	snop  }
0x7: {  	_ = 	snop  }
__scs_overlays_trampoline_lowered:
0x8: {  	[smem:$0x3FAF] =	sst s0  }
0x9: {  	[smem:$0x3FB0] =	sst s1  }
0xa: {  	[smem:$0x3FB1] =	sst s2  }
0xb: {  	[smem:$0x3FB2] =	sst s3  }
0xc: {  	[smem:$0x3FB3] =	sst s4  }
0xd: {  	[smem:$0x3FB4] =	sst s5  }
0xe: {  	[smem:$0x3FB5] =	sst s6  }
0xf: {  	[smem:$0x3FB6] =	sst s7  }
0x10: {  	[smem:$0x3FB7] =	sst s8  }
0x11: {  	[smem:$0x3FB8] =	sst s9;
	s0 =	simm.s32 @!p0 $0x0  }
0x12: {  	s1 =	sld [smem:$0x3F9E];
	s0 =	simm.s32 @p0 $0x1  }
0x13: {  	[smem:$0x3FB9] =	sst s0;
	s0 =	simm.s32 @!p1 $0x0  }
0x14: {  	s2 =	sld [smem:$0x3F9D];
	s0 =	simm.s32 @p1 $0x1  }
0x15: {  	[smem:$0x3FBA] =	sst s0;
	s0 =	simm.s32 @!p2 $0x0  }
0x16: {  	s3 =	sld [smem:$0x3FDB];
	s0 =	simm.s32 @p2 $0x1  }
0x17: {  	s4 =	simm.s32 $0x1BF5;
	[smem:$0x3FBC] =	sst s0  }
0x18: {  	s0 =	sld [smem:$0x3F9F];
	_ =	swait.ge [sflag:s4], $0x0  }
0x19: {  	s7 =	sld [smem:$0x3FA0]  }
0x1a: {  	s8 =	sadd.s32 $0xFFFFE003, lr  }
0x1b: {  	s9 =	sadd.s32 $0xFFFFFEF7, lr;
	s5 =	simm.s32 $0xFFFFFFFF;
	p2 =	slt.u32 s8, $0xFFFFF086  }
0x1c: {  	p1 =	slt.u32 s9, $0xF7A;
	s5 =	simm.s32 @!p2 $0x0  }
0x1d: {  	s5 =	simm.s32 @p1 $0x1;
	p0 =	seq.s32 s7, s2  }
0x1e: {  	s7 =	smul.u32 @!p0 $0xF7A, s2;
	p2 =	seq.s32 @!p0 s5, $0x0  }
0x1f: {  	s9 =	smul.u32 $0xF7A, s1;
	s8 =	simm.s32 @!p0 $0x1BF5;
	p2 =	por !p2, p0  }
0x20: {  	[sflag:s8] =	ssyncset.s32 @!p0 $0xFFFFF086;
	s6 =	sadd.s32 @!p0 s3, s7;
	s7 =	simm.s32 @!p0 $0x108  }
0x21: {  	s3 =	sadd.s32 s3, s9;
	s6 =	sadd.s32 @!p0 $0x88, s6;
	s7 =	simm.s32 @p2 $0x1082  }
0x22: {  	[simem:s7], [sflag:s8] =	dma.local @!p0 [hbm:s6], $0xF7A  }
0x23: {  	s9 =	sor.u32 $0xD0000000, s2;
	s6 =	simm.s32 $0x108;
	_ =	swait.ge @!p0 [sflag:s8], $0x0  }
0x24: {  	s3 =	sadd.s32 $0x88, s3;
	s6 =	simm.s32 @!p1 $0x1082;
	[sflag:s4] =	ssyncset.s32 $0xFFFFF086  }
0x25: {  	[simem:s6], [sflag:s4] =	dma.local [hbm:s3], $0xF7A  }
0x26: {  	[smem:$0x3FA0] =	sst s1;
	(tag) =	ssettag s2;
	_ =	strace s9  }
0x27: {  	s1 =	sld [smem:$0x3FB0]  }
0x28: {  	s2 =	sld [smem:$0x3FB1]  }
0x29: {  	s4 =	sld [smem:$0x3FB3]  }
0x2a: {  	p0 =	seq.s32 s5, $0x0;
	s5 =	sld [smem:$0x3FB4]  }
0x2b: {  	s6 =	sld [smem:$0x3FB5]  }
0x2c: {  	s7 =	sld [smem:$0x3FB6]  }
0x2d: {  	s3 =	simm.s32 $0x108;
	s8 =	sld [smem:$0x3FB7]  }
0x2e: {  	s3 =	simm.s32 @!p0 $0x1082;
	s9 =	sld [smem:$0x3FB8]  }
0x2f: {  	lr =	sadd.s32 s0, s3;
	s0 =	sld [smem:$0x3FAF]  }
0x30: {  	s3 =	sld [smem:$0x3FB2]  }
0x31: {  	[smem:$0x3FBB] =	sst s10  }
0x32: {  	s10 =	sld [smem:$0x3FB9];
	_ =	sdelay $0x3  }
0x33: {  	p0 =	seq.s32 s10, $0x1;
	s10 =	sld [smem:$0x3FBB];
	_ =	sdelay $0x3  }
0x34: {  	[smem:$0x3FBB] =	sst s10  }
0x35: {  	s10 =	sld [smem:$0x3FBA];
	_ =	sdelay $0x3  }
0x36: {  	p1 =	seq.s32 s10, $0x1;
	s10 =	sld [smem:$0x3FBB];
	_ =	sdelay $0x3  }
0x37: {  	[smem:$0x3FBB] =	sst s10  }
0x38: {  	s10 =	sld [smem:$0x3FBC]  }
0x39: {  	_ = 	snop;
	(pc) =	sbr.ind lr, $3  }
0x3a: {  	_ = 	snop  }
0x3b: {  	_ = 	snop  }
0x3c: {  	p2 =	seq.s32 s10, $0x1;
	s10 =	sld [smem:$0x3FBB]  }
0x3d: {  	_ =	shalt  }
0x3e: {  	_ =	shalt  }
0x3f: {  	_ =	shalt  }
0x40: {  	_ =	shalt  }
0x41: {  	_ =	shalt  }
0x42: {  	_ =	shalt  }
0x43: {  	_ =	shalt  }
0x44: {  	_ =	shalt  }
0x45: {  	_ =	shalt  }
0x46: {  	_ =	shalt  }
0x47: {  	_ =	shalt  }
0x48: {  	_ =	shalt  }
0x49: {  	_ =	shalt  }
0x4a: {  	_ =	shalt  }
0x4b: {  	_ =	shalt  }
0x4c: {  	_ =	shalt  }
0x4d: {  	_ =	shalt  }
0x4e: {  	_ =	shalt  }
0x4f: {  	_ =	shalt  }
0x50: {  	_ =	shalt  }
0x51: {  	_ =	shalt  }
0x52: {  	_ =	shalt  }
0x53: {  	_ =	shalt  }
0x54: {  	_ =	shalt  }
0x55: {  	_ =	shalt  }
0x56: {  	_ =	shalt  }
0x57: {  	_ =	shalt  }
0x58: {  	_ =	shalt  }
0x59: {  	_ =	shalt  }
0x5a: {  	_ =	shalt  }
0x5b: {  	_ =	shalt  }
0x5c: {  	_ =	shalt  }
0x5d: {  	_ =	shalt  }
0x5e: {  	_ =	shalt  }
0x5f: {  	_ =	shalt  }
0x60: {  	_ =	shalt  }
0x61: {  	_ =	shalt  }
0x62: {  	_ =	shalt  }
0x63: {  	_ =	shalt  }
0x64: {  	_ =	shalt  }
0x65: {  	_ =	shalt  }
0x66: {  	_ =	shalt  }
0x67: {  	_ =	shalt  }
0x68: {  	_ =	shalt  }
0x69: {  	_ =	shalt  }
0x6a: {  	_ =	shalt  }
0x6b: {  	_ =	shalt  }
0x6c: {  	_ =	shalt  }
0x6d: {  	_ =	shalt  }
0x6e: {  	_ =	shalt  }
0x6f: {  	_ =	shalt  }
0x70: {  	_ =	shalt  }
0x71: {  	_ =	shalt  }
0x72: {  	_ =	shalt  }
0x73: {  	_ =	shalt  }
0x74: {  	_ =	shalt  }
0x75: {  	_ =	shalt  }
0x76: {  	_ =	shalt  }
0x77: {  	_ =	shalt  }
0x78: {  	_ =	shalt  }
0x79: {  	_ =	shalt  }
0x7a: {  	_ =	shalt  }
0x7b: {  	_ =	shalt  }
0x7c: {  	_ =	shalt  }
0x7d: {  	_ =	shalt  }
0x7e: {  	_ =	shalt  }
0x7f: {  	_ =	shalt  }
0x80: {  	_ =	shalt  }
0x81: {  	_ =	shalt  }
0x82: {  	_ =	shalt  }
0x83: {  	_ =	shalt  }
0x84: {  	_ =	shalt  }
0x85: {  	_ =	shalt  }
0x86: {  	_ =	shalt  }
0x87: {  	_ =	shalt  }
.Lfunc_end0:
.L_simem_size_0:
called_computation_lowered:
.L_overlay_start_0:
0x88: {  	s2 =	sld [smem:$0x3FD9]  }
0x89: {  	s3 =	sld [smem:$0x3FFE];
	_ =	sdelay $0x1  }
0x8a: {  	s1 =	srdreg.scid  }
0x8b: {  	s0 =	sand.u32 $0x1, s1  }
0x8c: {  	s18 =	sshll.u32 s0, $0xA;
	s2 =	sadd.s32 s3, s2  }
0x8d: {  	s2 =	sadd.s32 s2, s18  }
0x8e: {  	[smem:$0x3FC7] =	sst s2  }
0x8f: {  	_ = 	snop  }
0x90: {  	s2 =	sld [smem:$0x3FC9]  }
0x91: {  	s19 =	sld [smem:$0x3FD0];
	(tm) =	ssettm $0x1  }
0x92: {  	s4 =	sld [smem:$0x3FFB];
	_ =	sdelay $0x3  }
0x93: {  	_ =	strace s4  }
0x94: {  	s4 =	sld [smem:$0x3FFC];
	_ =	sdelay $0x3  }
0x95: {  	_ =	strace s4  }
0x96: {  	s4 =	sld [smem:$0x3FFD];
	_ =	sdelay $0x3  }
0x97: {  	_ =	strace s4  }
0x98: {  	_ =	strace $0x8FFFFFFF  }
0x99: {  	s20 =	sld [smem:$0x3FDB];
	_ =	sdelay $0x1  }
0x9a: {  	s5 =	simm.s32 $_scs_section_size  }
0x9b: {  	s6 =	simm.s32 $_size__tile_overlayer_lowered;
	s7 =	simm.s32 $_tile_overlayer_lowered  }
0x9c: {  	s23 =	simm.s32 $0x1BFF;
	s22 =	sshll.u32 s7, $0x1;
	s4 =	sadd.s32 s5, s20  }
0x9d: {  	s8 =	simm.s32 $0x0;
	s21 =	sshll.u32 s6, $0x1;
	s6 =	sadd.s32 s22, s4  }
0x9e: {  	[timem:s8], [sflag:s23] =	dma.local [hbm:s6], s21  }
0x9f: {  	_ =	swait.ge [sflag:s23], s21  }
0xa0: {  	s5 =	ssub.s32 $0x0, s21;
	[sflag:s23] =	ssyncset.done $0x0  }
0xa1: {  	[sflag:s23] =	ssyncadd.s32 s5;
	_ =	sdelay $0x1  }
0xa2: {  	s24 =	simm.s32 $0x1B8B  }
0xa3: {  	_ =	swait.ge [sflag:s24], $0x1  }
0xa4: {  	[sflag:s24] =	ssyncset.done $0x0  }
0xa5: {  	s25 =	simm.s32 $0x1B8E;
	[sflag:s24] =	ssyncadd.s32 $0xFFFFFFFF  }
0xa6: {  	s26 =	simm.s32 $execute0_lowered;
	[smem:$0x3FD2] =	sst s25  }
0xa7: {  	s5 =	sshll.u32 s26, $0x1;
	_ =	strace $0x80000046;
	[dreg:$0x1] =	wrdreg $0xFFFFFFFF  }
0xa8: {  	s28 =	simm.s32 $_size_execute0_lowered;
	s4 =	sadd.s32 s4, s5;
	[dreg:$0x0] =	wrdreg $0x0  }
0xa9: {  	s5 =	sshll.u32 s28, $0x1;
	[dreg:$0x2] =	wrdreg s4  }
0xaa: {  	[dreg:$0x3] =	wrdreg s5  }
0xab: {  	[dreg:$0x4] =	wrdreg $0xC0  }
0xac: {  	_ =	task [dreg:s8], $0x5FFFF  }
0xad: {  	[dreg:$0x1] =	wrdreg $0xFFFFFFFF  }
0xae: {  	[dreg:$0x0] =	wrdreg $0x60  }
0xaf: {  	[dreg:$0x2] =	wrdreg s2  }
0xb0: {  	[dreg:$0x3] =	wrdreg s19  }
0xb1: {  	[dreg:$0x4] =	wrdreg $0x9  }
0xb2: {  	_ =	task.clear_ibuf [dreg:s8], $0x5FFFF;
	_ =	strace $0x90000046  }
0xb3: {  	s29 =	simm.s32 $0x9;
	_ =	strace $0x80000048  }
0xb4: {  	_ =	swait.ge [sflag:s29], $0x1  }
0xb5: {  	[sflag:s29] =	ssyncadd.s32 $0xFFFFFFFF  }
0xb6: {  	_ =	strace $0x90000048  }
0xb7: {  	_ =	sfence  }
0xb8: {  	s30 =	sld [smem:$0x0];
	_ =	sdelay $0x2  }
0xb9: {  	s31 =	sshll.u32 s1, $0xD;
	s1 =	sshrl.u32 s1, $0x2  }
0xba: {  	s3 =	sand.u32 $0x4000, s31;
	s1 =	sadd.s32 s1, s30  }
0xbb: {  	s0 =	sor.u32 s3, s0;
	s1 =	sshll.u32 s1, $0x11  }
0xbc: {  	s0 =	sor.u32 s1, s0  }
0xbd: {  	s0 =	sadd.s32 $0x8F2B, s0  }
0xbe: {  	[sflag:s0] =	ssyncadd.remote.s32 $0x1  }
0xbf: {  	_ =	sfence.sel $0xFFFF  }
0xc0: {  	[dreg:$0x0] =	wrdreg $0xFFFFFFFF;
	(pc) =	sbr.abs _section_cstart, $3  }
0xc1: {  	[dreg:$0x1] =	wrdreg $0xFFFFFFFF  }
0xc2: {  	_ =	task.clear_ibuf [dreg:s8], $0x2FFFF;
	_ =	strace $0x9FFFFFFF  }
0xc3: {  	(tm) =	ssettm $0x7FFFFFFF  }
tec
execute0_lowered:
.L_overlay_start_1:
0x0: {  	(tag) =	ssettag $0x1  }
0x1: {  	s1 =	rddreg [dreg:$0x0]  }
0x2: {  	s3 =	rddreg [dreg:$0x1]  }
0x3: {  	s0 =	rddreg [dreg:$0x2];
	s5 =	srdreg.scid  }
0x4: {  	s4 =	simm.s32 $0x0;
	s2 =	stileid.u32;
	s9 =	simm.s32 $0x100  }
0x5: {  	s10 =	simm.s32 $0x400;
	s11 =	simm.s32 $0x1;
	s12 =	simm.s32 $0x4000  }
0x6: {  	s13 =	simm.s32 $0x8000;
	s14 =	simm.s32 $0x2;
	s15 =	simm.s32 $0xC000  }
0x7: {  	s16 =	simm.s32 $0x3;
	s17 =	simm.s32 $0x4;
	s5 =	sand.u32 $0x1, s5  }
0x8: {  	s7 =	sshll.u32 s2, $0x7;
	s6 =	ssub.s32 $0x2, s5;
	s5 =	sshll.u32 s5, $0x6  }
0x9: {  	s18 =	simm.s32 $0x0;
	s8 =	sshrl.u32 s6, $0x1;
	s5 =	sor.u32 s5, s7  }
0xa: {  	[smem:$0x7FF] =	sst s4;
	s8 =	ssub.s32 s6, s8;
	s6 =	sshll.u32 s5, $0xA  }
0xb: {  	v0 =	vimm.s32 $0xF;
	_ =	strace $0x80000047;
	s7 =	sadd.s32 s1, s6;
	s8 =	smax.u32 s8, $0x1  }
.LBB2_1:
0xc: {  	[tilespmem:s4], [sflag:$0x1] =	stream.strided.gather [hbm4b:s7+s9], $0x4000, s10, s9, $0x38;
	[tilespmem:$0x10000] =	vst v63  }
0xd: {  	s19 =	simm.s32 $0x0  }
.LBB2_2:
0xe: {  	s20 =	sshll.u32 s19, $0xC  }
0xf: {  	s22 =	sshll.u32 s19, $0x6;
	s20 =	sand.u32 $0xE000, s20  }
0x10: {  	s22 =	sand.u32 $0x40, s22;
	s21 =	sor.u32 s6, s20  }
0x11: {  	_ =	swait.ge [sflag:s11], $0x4000;
	s20 =	sor.u32 s22, s21  }
0x12: {  	[sflag:s11] =	ssyncset.done $0x0;
	s20 =	sor.u32 $0x20, s20  }
0x13: {  	p0 =	seq.s32 s19, $0x0;
	[sflag:s11] =	ssyncadd.s32 $0xFFFFC000;
	s23 =	sadd.s32 s1, s20  }
0x14: {  	[tilespmem:s12], [sflag:$0x2] =	stream.strided.gather [hbm4b:s23+s9], $0x4000, s10, s9, $0x38;
	[tilespmem:$0x10000] =	vst v63  }
0x15: {  	s23 =	simm.s32 @!p0 $0x3  }
0x16: {  	_ =	swait.ge @!p0 [sflag:s23], $0x4000  }
0x17: {  	[sflag:s23] =	ssyncset.done @!p0 $0x0  }
0x18: {  	s24 =	simm.s32 $0x0;
	[sflag:s23] =	ssyncadd.s32 @!p0 $0xFFFFC000  }
0x19: {  	v1 =	vld [tilespmem:s24+$0x3F60]  }
0x1a: {  	v2 =	vld [tilespmem:s24+$0x3F70];
	_ =	sdelay $0x3  }
0x1b: {  	(xrf2) =	vadd.scan.msk.f32 $0xffff, v1  }
0x1c: {  	(xrf2) =	vadd.scan.msk.f32 $0xffff, v2  }
0x1d: {  	v3 =	vld [tilespmem:s24+$0x3F50];
	_ =	sdelay $0x1  }
0x1e: {  	v5 =	vld [tilespmem:s24+$0x3F40]  }
0x1f: {  	v7 =	vld [tilespmem:s24+$0x3F20];
	_ =	sdelay $0x1  }
0x20: {  	(xrf2) =	vadd.scan.msk.f32 $0xffff, v3;
	_ =	sdelay $0x1  }
0x21: {  	v9 =	vld [tilespmem:s24+$0x3F30];
	(xrf2) =	vadd.scan.msk.f32 $0xffff, v5  }
0x22: {  	v8 =	vld [tilespmem:s24+$0x3F10];
	(xrf2) =	vadd.scan.msk.f32 $0xffff, v7;
	v4, _, _ =	vpop (xrf2)  }
0x23: {  	v10, _, _ =	vpop (xrf2);
	v12 =	vperm.xlane v4, v0  }
0x24: {  	v11 =	vld [tilespmem:s24+$0x3F00];
	v13 =	vperm.xlane v10, v0  }
0x25: {  	v14 =	vsub.f32 v12, v4  }
0x26: {  	(xrf2) =	vadd.scan.msk.f32 $0xffff, v9;
	v10 =	vsub.f32 v13, v10  }
0x27: {  	s23 =	simm.s32 $0xFFFFFF00;
	(xrf2) =	vadd.scan.msk.f32 $0xffff, v8;
	v14 =	vadd.f32 v14, v1  }
0x28: {  	v6 =	vld [tilespmem:s23+$0x3F60];
	v2 =	vadd.f32 v10, v2  }
0x29: {  	(xrf2) =	vadd.scan.msk.f32 $0xffff, v11;
	v15, _, _ =	vpop (xrf2);
	v4 =	vld [tilespmem:s23+$0x3F70];
	v1 =	vimm.f32 $0.0e+00;
	v10 =	vadd.f32 v14, v13  }
0x2a: {  	v19 =	vperm.xlane v15, v0;
	v12 =	vadd.f32 v13, v12;
	v13 =	vadd.f32 v2, v1  }
0x2b: {  	v16, _, _ =	vpop (xrf2);
	v10 =	vadd.f32 v10, v1  }
0x2c: {  	v17 =	vperm.xlane v16, v0;
	v15 =	vsub.f32 v19, v15;
	v2 =	vld [tilespmem:s23+$0x3F50];
	v14, _, _ =	vpop (xrf2);
	[tilespmem:s24+$0xBF70] =	vst v13  }
0x2d: {  	(xrf2) =	vadd.scan.msk.f32 $0xffff, v6;
	v21 =	vadd.f32 v12, v19;
	v19 =	vperm.xlane v14, v0;
	[tilespmem:s24+$0xBF60] =	vst v10  }
0x2e: {  	v16 =	vsub.f32 v17, v16;
	v3 =	vadd.f32 v15, v3;
	(xrf2) =	vadd.scan.msk.f32 $0xffff, v4;
	v10 =	vld [tilespmem:s23+$0x3F40]  }
0x2f: {  	v14 =	vsub.f32 v19, v14  }
0x30: {  	v5 =	vadd.f32 v16, v5;
	v12 =	vadd.f32 v12, v3;
	v18, _, _ =	vpop (xrf2)  }
0x31: {  	v13 =	vadd.f32 v21, v17;
	v20 =	vperm.xlane v18, v0;
	v22, _, _ =	vpop (xrf2);
	(xrf2) =	vadd.scan.msk.f32 $0xffff, v2;
	v14 =	vadd.f32 v14, v7;
	v7 =	vld [tilespmem:s23+$0x3F20]  }
0x32: {  	v5 =	vadd.f32 v21, v5;
	v16 =	vperm.xlane v22, v0  }
0x33: {  	v12 =	vadd.f32 v12, v1;
	v15, _, _ =	vpop (xrf2);
	v17 =	vadd.f32 v13, v20;
	(xrf2) =	vadd.scan.msk.f32 $0xffff, v10  }
0x34: {  	v3 =	vld [tilespmem:s23+$0x3F30];
	v23 =	vsub.f32 v20, v18;
	v20 =	vperm.xlane v15, v0;
	v18 =	vsub.f32 v16, v22  }
0x35: {  	v5 =	vadd.f32 v5, v1;
	v22 =	vadd.f32 v17, v19  }
0x36: {  	v24 =	vadd.f32 v18, v8;
	v18 =	vsub.f32 v20, v15;
	(xrf2) =	vadd.scan.msk.f32 $0xffff, v7  }
0x37: {  	v15, _, _ =	vpop (xrf2);
	v14 =	vadd.f32 v17, v14;
	v8 =	vld [tilespmem:s23+$0x3F10];
	v21 =	vadd.f32 v22, v16  }
0x38: {  	v19 =	vadd.f32 v23, v9;
	[tilespmem:s24+$0xBF50] =	vst v12;
	v17, _, _ =	vpop (xrf2);
	v11 =	vadd.f32 v18, v11;
	v18 =	vperm.xlane v15, v0  }
0x39: {  	v25 =	vadd.f32 v14, v1;
	v16 =	vperm.xlane v17, v0;
	v26 =	vadd.f32 v21, v20;
	(xrf2) =	vadd.scan.msk.f32 $0xffff, v3  }
0x3a: {  	s25 =	sshll.u32 s19, $0x2;
	v9 =	vld [tilespmem:s23+$0x3F00];
	[tilespmem:s24+$0xBF40] =	vst v5;
	v20 =	vadd.f32 v22, v24;
	v21 =	vadd.f32 v21, v11  }
0x3b: {  	s29 =	simm.s32 $0xFFFFF800;
	s28 =	simm.s32 $0x0;
	s26 =	simm.s32 $0xFFFFFF00;
	[tilespmem:s24+$0xBF20] =	vst v25;
	v11 =	vimm.f32 $0.0e+00;
	v12 =	vadd.f32 v16, v18;
	v5 =	vadd.f32 v26, v1;
	v14, _, _ =	vpop (xrf2)  }
.LBB2_3:
0x3c: {  	s30 =	sshra.s32 s29, $0x2;
	p0 =	sne.s32 s29, $0xFFFF0400;
	s29 =	sadd.s32 $0xFFFFFC00, s29;
	v15 =	vsub.f32 v18, v15;
	(xrf2) =	vadd.scan.msk.f32 $0xffff, v8;
	v18 =	vadd.f32 v21, v11  }
0x3d: {  	v17 =	vsub.f32 v16, v17;
	v13 =	vadd.f32 v13, v19;
	v21 =	vld [tilespmem:s30+$0x3F60];
	v22, _, _ =	vpop (xrf2)  }
0x3e: {  	v6 =	vadd.f32 v15, v6;
	[tilespmem:s28+$0xBF00] =	vst v18;
	v15 =	vadd.f32 v20, v11  }
0x3f: {  	v17 =	vadd.f32 v17, v4;
	v13 =	vadd.f32 v13, v11;
	v11 =	vmovc v5;
	(xrf2) =	vadd.scan.msk.f32 $0xffff, v9  }
0x40: {  	v4 =	vld [tilespmem:s30+$0x3F70];
	v18 =	vadd.f32 v6, v16;
	v16, _, _ =	vpop (xrf2);
	[tilespmem:s28+$0xBF10] =	vst v15  }
0x41: {  	v19 =	vadd.f32 v17, v5;
	[tilespmem:s28+$0xBF30] =	vst v13;
	s28 =	smov.u32 s26;
	s26 =	smov.u32 s30  }
0x42: {  	(xrf2) =	vadd.scan.msk.f32 $0xffff, v21;
	v13 =	vadd.f32 v18, v5;
	v6 =	vmov v21  }
0x43: {  	v18 =	vperm.xlane v22, v0;
	v17 =	vld [tilespmem:s26+$0x3F50];
	[tilespmem:s28+$0xBF70] =	vst v19;
	v15, _, _ =	vpop (xrf2)  }
0x44: {  	v24 =	vperm.xlane v14, v0;
	[tilespmem:s28+$0xBF60] =	vst v13  }
0x45: {  	v20 =	vperm.xlane v15, v0;
	v13 =	vsub.f32 v18, v22;
	(xrf2) =	vadd.scan.msk.f32 $0xffff, v4  }
0x46: {  	v26 =	vadd.f32 v12, v24;
	v14 =	vsub.f32 v24, v14;
	v22 =	vperm.xlane v16, v0;
	v21 =	vld [tilespmem:s26+$0x3F40];
	v19, _, _ =	vpop (xrf2)  }
0x47: {  	v24 =	vsub.f32 v20, v15;
	v10 =	vadd.f32 v13, v10  }
0x48: {  	v14 =	vadd.f32 v14, v2;
	v13 =	vadd.f32 v26, v18;
	v25 =	vperm.xlane v19, v0;
	(xrf2) =	vadd.scan.msk.f32 $0xffff, v17  }
0x49: {  	v27 =	vsub.f32 v22, v16;
	v16 =	vadd.f32 v26, v10;
	v2 =	vmov v17;
	v18 =	vld [tilespmem:s26+$0x3F20];
	v23, _, _ =	vpop (xrf2)  }
0x4a: {  	v17 =	vadd.f32 v13, v20;
	v26 =	vsub.f32 v25, v19  }
0x4b: {  	v12 =	vadd.f32 v12, v14;
	v27 =	vadd.f32 v27, v7;
	v19 =	vperm.xlane v23, v0;
	(xrf2) =	vadd.scan.msk.f32 $0xffff, v21  }
0x4c: {  	v20 =	vadd.f32 v17, v22;
	v22 =	vadd.f32 v26, v8;
	v10 =	vmov v21;
	v14 =	vld [tilespmem:s26+$0x3F30];
	v15, _, _ =	vpop (xrf2)  }
0x4d: {  	v12 =	vadd.f32 v12, v5;
	v21 =	vsub.f32 v19, v23  }
0x4e: {  	v23 =	vadd.f32 v20, v25;
	v25 =	vadd.f32 v17, v27;
	(xrf2) =	vadd.scan.msk.f32 $0xffff, v18;
	v7 =	vmov v18  }
.Ltmp0:
0x4f: {  	v26 =	vadd.f32 v16, v5;
	v21 =	vadd.f32 v21, v9;
	v8 =	vld [tilespmem:s26+$0x3F10];
	v17, _, _ =	vpop (xrf2);
	(pc) =	sbr.rel @p0 .LBB2_3-.Ltmp0, $4  }
0x50: {  	v18 =	vperm.xlane v15, v0;
	v25 =	vadd.f32 v25, v5;
	v16 =	vperm.xlane v17, v0;
	[tilespmem:s28+$0xBF50] =	vst v12  }
0x51: {  	v27 =	vadd.f32 v23, v19;
	v19 =	vadd.f32 v24, v3;
	(xrf2) =	vadd.scan.msk.f32 $0xffff, v14;
	v3 =	vmov v14  }
0x52: {  	v21 =	vadd.f32 v23, v21;
	v9 =	vld [tilespmem:s26+$0x3F00];
	v12 =	vadd.f32 v16, v18;
	v14, _, _ =	vpop (xrf2);
	[tilespmem:s28+$0xBF40] =	vst v26  }
0x53: {  	v20 =	vadd.f32 v20, v22;
	v5 =	vadd.f32 v27, v5;
	[tilespmem:s28+$0xBF20] =	vst v25  }
0x54: {  	_ = 	snop  }
0x55: {  	(xrf2) =	vadd.scan.msk.f32 $0xffff, v8;
	v15 =	vsub.f32 v18, v15  }
0x56: {  	v17 =	vsub.f32 v16, v17  }
0x57: {  	v13 =	vadd.f32 v13, v19;
	v6 =	vadd.f32 v15, v6;
	(xrf2) =	vadd.scan.msk.f32 $0xffff, v9  }
0x58: {  	v4 =	vadd.f32 v17, v4;
	v17 =	vadd.f32 v20, v11;
	v20 =	vperm.xlane v14, v0  }
0x59: {  	v18 =	vadd.f32 v21, v11;
	v11 =	vadd.f32 v13, v11  }
0x5a: {  	v15, _, _ =	vpop (xrf2);
	v6 =	vadd.f32 v6, v16;
	v14 =	vsub.f32 v20, v14  }
0x5b: {  	v4 =	vadd.f32 v4, v5;
	v22 =	vadd.f32 v12, v20;
	v16, _, _ =	vpop (xrf2);
	v19 =	vperm.xlane v15, v0  }
0x5c: {  	v6 =	vadd.f32 v6, v5;
	v20 =	vperm.xlane v16, v0;
	v2 =	vadd.f32 v14, v2;
	v13, _, _ =	vpop (xrf2)  }
0x5d: {  	v15 =	vsub.f32 v19, v15;
	v19 =	vadd.f32 v22, v19;
	v21 =	vperm.xlane v13, v0  }
0x5e: {  	v14 =	vsub.f32 v20, v16;
	v2 =	vadd.f32 v12, v2  }
0x5f: {  	v10 =	vadd.f32 v15, v10;
	v23, _, _ =	vpop (xrf2);
	v13 =	vsub.f32 v21, v13  }
0x60: {  	[tilespmem:s28+$0xBF00] =	vst v18;
	v21 =	vadd.f32 v19, v21;
	v7 =	vadd.f32 v14, v7;
	v15 =	vperm.xlane v23, v0  }
0x61: {  	[tilespmem:s28+$0xBF10] =	vst v17;
	v2 =	vadd.f32 v2, v5;
	v10 =	vadd.f32 v22, v10;
	v16, _, _ =	vpop (xrf2)  }
0x62: {  	[tilespmem:s28+$0xBF30] =	vst v11;
	v12 =	vadd.f32 v21, v20;
	v22 =	vsub.f32 v15, v23;
	v23 =	vperm.xlane v16, v0  }
0x63: {  	[tilespmem:s26+$0xBF70] =	vst v4;
	v4 =	vadd.f32 v21, v7;
	v3 =	vadd.f32 v13, v3  }
0x64: {  	v7 =	vadd.f32 v10, v5;
	v14 =	vsub.f32 v23, v16  }
0x65: {  	v11 =	vadd.f32 v12, v15;
	v8 =	vadd.f32 v22, v8  }
0x66: {  	[tilespmem:s26+$0xBF60] =	vst v6;
	v3 =	vadd.f32 v19, v3;
	v9 =	vadd.f32 v14, v9  }
0x67: {  	[tilespmem:s26+$0xBF50] =	vst v2;
	v4 =	vadd.f32 v4, v5;
	v2 =	vadd.f32 v12, v8  }
0x68: {  	[tilespmem:s26+$0xBF40] =	vst v7;
	v3 =	vadd.f32 v3, v5;
	v6 =	vadd.f32 v11, v9  }
0x69: {  	[tilespmem:s26+$0xBF20] =	vst v4;
	v2 =	vadd.f32 v2, v5  }
0x6a: {  	[tilespmem:s26+$0xBF30] =	vst v3;
	v6 =	vadd.f32 v6, v5  }
0x6b: {  	[tilespmem:s26+$0xBF10] =	vst v2  }
0x6c: {  	[tilespmem:s26+$0xBF00] =	vst v6  }
0x6d: {  	v2 =	vld [tilespmem:s24+$0x3FE0]  }
0x6e: {  	v3 =	vld [tilespmem:s24+$0x3FF0];
	_ =	sdelay $0x3  }
0x6f: {  	(xrf2) =	vadd.scan.msk.f32 $0xffff, v2  }
0x70: {  	v5 =	vld [tilespmem:s24+$0x3FD0];
	(xrf2) =	vadd.scan.msk.f32 $0xffff, v3  }
0x71: {  	v7 =	vld [tilespmem:s24+$0x3FC0]  }
0x72: {  	v8 =	vld [tilespmem:s24+$0x3FA0]  }
0x73: {  	v9 =	vld [tilespmem:s24+$0x3FB0];
	_ =	sdelay $0x1  }
0x74: {  	(xrf2) =	vadd.scan.msk.f32 $0xffff, v5  }
0x75: {  	(xrf2) =	vadd.scan.msk.f32 $0xffff, v7  }
0x76: {  	v11 =	vld [tilespmem:s24+$0x3F90];
	(xrf2) =	vadd.scan.msk.f32 $0xffff, v8  }
0x77: {  	(xrf2) =	vadd.scan.msk.f32 $0xffff, v9  }
0x78: {  	v13 =	vld [tilespmem:s24+$0x3F80];
	v4, _, _ =	vpop (xrf2)  }
0x79: {  	v10, _, _ =	vpop (xrf2);
	v12 =	vperm.xlane v4, v0  }
0x7a: {  	v6 =	vld [tilespmem:s23+$0x3FE0];
	v14 =	vperm.xlane v10, v0  }
0x7b: {  	(xrf2) =	vadd.scan.msk.f32 $0xffff, v11;
	v15 =	vsub.f32 v12, v4  }
0x7c: {  	v10 =	vsub.f32 v14, v10  }
0x7d: {  	(xrf2) =	vadd.scan.msk.f32 $0xffff, v13;
	v2 =	vadd.f32 v15, v2  }
0x7e: {  	v16, _, _ =	vpop (xrf2);
	v3 =	vadd.f32 v10, v3  }
0x7f: {  	(xrf2) =	vadd.scan.msk.f32 $0xffff, v6;
	v4 =	vld [tilespmem:s23+$0x3FF0];
	v15, _, _ =	vpop (xrf2);
	v10 =	vadd.f32 v2, v14  }
0x80: {  	v17, _, _ =	vpop (xrf2);
	v18 =	vperm.xlane v15, v0;
	v3 =	vadd.f32 v3, v1  }
0x81: {  	v19 =	vperm.xlane v16, v0;
	v14 =	vadd.f32 v14, v12;
	v12, _, _ =	vpop (xrf2);
	v10 =	vadd.f32 v10, v1  }
0x82: {  	v2 =	vld [tilespmem:s23+$0x3FD0];
	v20 =	vperm.xlane v12, v0;
	v15 =	vsub.f32 v18, v15;
	[tilespmem:s24+$0xBFF0] =	vst v3  }
0x83: {  	v16 =	vsub.f32 v19, v16;
	v21 =	vadd.f32 v14, v19;
	v19 =	vperm.xlane v17, v0;
	[tilespmem:s24+$0xBFE0] =	vst v10  }
0x84: {  	(xrf2) =	vadd.scan.msk.f32 $0xffff, v4;
	v23 =	vsub.f32 v20, v12;
	v7 =	vadd.f32 v15, v7;
	v10 =	vld [tilespmem:s23+$0x3FC0]  }
0x85: {  	v22, _, _ =	vpop (xrf2);
	v12 =	vadd.f32 v21, v18;
	v15 =	vsub.f32 v19, v17  }
0x86: {  	v5 =	vadd.f32 v16, v5;
	v24 =	vperm.xlane v22, v0;
	v17 =	vadd.f32 v21, v7  }
0x87: {  	(xrf2) =	vadd.scan.msk.f32 $0xffff, v2;
	v3, _, _ =	vpop (xrf2);
	v7 =	vadd.f32 v12, v20;
	v20 =	vadd.f32 v15, v8;
	v8 =	vld [tilespmem:s23+$0x3FA0]  }
0x88: {  	v16 =	vsub.f32 v24, v22;
	v18 =	vperm.xlane v3, v0  }
0x89: {  	v5 =	vadd.f32 v14, v5;
	v15, _, _ =	vpop (xrf2);
	(xrf2) =	vadd.scan.msk.f32 $0xffff, v10  }
0x8a: {  	v21 =	vadd.f32 v16, v11;
	v11 =	vsub.f32 v18, v3;
	v3 =	vld [tilespmem:s23+$0x3FB0]  }
0x8b: {  	v19 =	vadd.f32 v7, v19  }
0x8c: {  	v5 =	vadd.f32 v5, v1;
	v20 =	vadd.f32 v7, v20;
	(xrf2) =	vadd.scan.msk.f32 $0xffff, v8  }
0x8d: {  	v7 =	vld [tilespmem:s23+$0x3F90];
	v13 =	vadd.f32 v11, v13;
	v22 =	vadd.f32 v19, v24  }
0x8e: {  	v63 =	vadd.f32 v17, v1;
	[tilespmem:s24+$0xBFD0] =	vst v5;
	v17 =	vperm.xlane v15, v0;
	v16, _, _ =	vpop (xrf2);
	v25 =	vadd.f32 v20, v1  }
0x8f: {  	v19 =	vadd.f32 v19, v21;
	v14 =	vperm.xlane v16, v0;
	v5 =	vadd.f32 v22, v18;
	(xrf2) =	vadd.scan.msk.f32 $0xffff, v3  }
0x90: {  	v18 =	vadd.f32 v23, v9;
	v9 =	vld [tilespmem:s23+$0x3F80];
	v20 =	vadd.f32 v22, v13;
	[tilespmem:s24+$0xBFC0] =	vst v63  }
0x91: {  	s26 =	simm.s32 $0xFFFFF800;
	[tilespmem:s24+$0xBFA0] =	vst v25;
	v11 =	vadd.f32 v14, v17;
	v13, _, _ =	vpop (xrf2);
	v5 =	vadd.f32 v5, v1  }
.LBB2_5:
0x92: {  	s28 =	sshra.s32 s26, $0x2;
	p0 =	sne.s32 s26, $0xFFFF0400;
	s26 =	sadd.s32 $0xFFFFFC00, s26;
	v15 =	vsub.f32 v17, v15;
	(xrf2) =	vadd.scan.msk.f32 $0xffff, v7;
	v17 =	vadd.f32 v20, v1  }
0x93: {  	v16 =	vsub.f32 v14, v16;
	v12 =	vadd.f32 v12, v18;
	v20 =	vld [tilespmem:s28+$0x3FE0];
	v21, _, _ =	vpop (xrf2)  }
0x94: {  	v6 =	vadd.f32 v15, v6;
	[tilespmem:s24+$0xBF80] =	vst v17;
	v15 =	vadd.f32 v19, v1  }
0x95: {  	v16 =	vadd.f32 v16, v4;
	v12 =	vadd.f32 v12, v1;
	v1 =	vmovc v5;
	(xrf2) =	vadd.scan.msk.f32 $0xffff, v9  }
0x96: {  	v4 =	vld [tilespmem:s28+$0x3FF0];
	v17 =	vadd.f32 v6, v14;
	v14, _, _ =	vpop (xrf2);
	[tilespmem:s24+$0xBF90] =	vst v15  }
0x97: {  	v18 =	vadd.f32 v16, v5;
	[tilespmem:s24+$0xBFB0] =	vst v12;
	s24 =	smov.u32 s23;
	s23 =	smov.u32 s28  }
0x98: {  	(xrf2) =	vadd.scan.msk.f32 $0xffff, v20;
	v12 =	vadd.f32 v17, v5;
	v6 =	vmov v20  }
0x99: {  	v17 =	vperm.xlane v21, v0;
	v16 =	vld [tilespmem:s23+$0x3FD0];
	[tilespmem:s24+$0xBFF0] =	vst v18;
	v15, _, _ =	vpop (xrf2)  }
0x9a: {  	v23 =	vperm.xlane v13, v0;
	[tilespmem:s24+$0xBFE0] =	vst v12  }
0x9b: {  	v19 =	vperm.xlane v15, v0;
	v12 =	vsub.f32 v17, v21;
	(xrf2) =	vadd.scan.msk.f32 $0xffff, v4  }
0x9c: {  	v22 =	vadd.f32 v11, v23;
	v13 =	vsub.f32 v23, v13;
	v21 =	vperm.xlane v14, v0;
	v20 =	vld [tilespmem:s23+$0x3FC0];
	v18, _, _ =	vpop (xrf2)  }
0x9d: {  	v23 =	vsub.f32 v19, v15;
	v10 =	vadd.f32 v12, v10  }
0x9e: {  	v13 =	vadd.f32 v13, v2;
	v12 =	vadd.f32 v22, v17;
	v24 =	vperm.xlane v18, v0;
	(xrf2) =	vadd.scan.msk.f32 $0xffff, v16  }
0x9f: {  	v14 =	vsub.f32 v21, v14;
	v22 =	vadd.f32 v22, v10;
	v2 =	vmov v16;
	v17 =	vld [tilespmem:s23+$0x3FA0];
	v25, _, _ =	vpop (xrf2)  }
0xa0: {  	v16 =	vadd.f32 v12, v19;
	v26 =	vsub.f32 v24, v18  }
0xa1: {  	v11 =	vadd.f32 v11, v13;
	v27 =	vadd.f32 v14, v8;
	v18 =	vperm.xlane v25, v0;
	(xrf2) =	vadd.scan.msk.f32 $0xffff, v20  }
0xa2: {  	v19 =	vadd.f32 v16, v21;
	v21 =	vadd.f32 v26, v7;
	v10 =	vmov v20;
	v13 =	vld [tilespmem:s23+$0x3FB0];
	v15, _, _ =	vpop (xrf2)  }
0xa3: {  	v11 =	vadd.f32 v11, v5;
	v14 =	vsub.f32 v18, v25  }
0xa4: {  	v20 =	vadd.f32 v19, v24;
	v24 =	vadd.f32 v16, v27;
	(xrf2) =	vadd.scan.msk.f32 $0xffff, v17;
	v8 =	vmov v17  }
.Ltmp1:
0xa5: {  	v22 =	vadd.f32 v22, v5;
	v25 =	vadd.f32 v14, v9;
	v7 =	vld [tilespmem:s23+$0x3F90];
	v16, _, _ =	vpop (xrf2);
	(pc) =	sbr.rel @p0 .LBB2_5-.Ltmp1, $4  }
0xa6: {  	v17 =	vperm.xlane v15, v0;
	v24 =	vadd.f32 v24, v5;
	v14 =	vperm.xlane v16, v0;
	[tilespmem:s24+$0xBFD0] =	vst v11  }
0xa7: {  	v26 =	vadd.f32 v20, v18;
	v18 =	vadd.f32 v23, v3;
	(xrf2) =	vadd.scan.msk.f32 $0xffff, v13;
	v3 =	vmov v13  }
0xa8: {  	v20 =	vadd.f32 v20, v25;
	v9 =	vld [tilespmem:s23+$0x3F80];
	v11 =	vadd.f32 v14, v17;
	v13, _, _ =	vpop (xrf2);
	[tilespmem:s24+$0xBFC0] =	vst v22  }
0xa9: {  	v19 =	vadd.f32 v19, v21;
	v5 =	vadd.f32 v26, v5;
	[tilespmem:s24+$0xBFA0] =	vst v24  }
0xaa: {  	_ =	sdelay $0x1  }
0xab: {  	(xrf2) =	vadd.scan.msk.f32 $0xffff, v7;
	v15 =	vsub.f32 v17, v15;
	v17 =	vadd.f32 v20, v1  }
0xac: {  	v16 =	vsub.f32 v14, v16;
	v12 =	vadd.f32 v12, v18;
	(xrf2) =	vadd.scan.msk.f32 $0xffff, v9  }
0xad: {  	v20, _, _ =	vpop (xrf2);
	v6 =	vadd.f32 v15, v6;
	v15 =	vadd.f32 v19, v1  }
0xae: {  	v18 =	vperm.xlane v20, v0;
	v1 =	vadd.f32 v12, v1;
	v12 =	vperm.xlane v13, v0  }
0xaf: {  	v4 =	vadd.f32 v16, v4;
	v6 =	vadd.f32 v6, v14;
	v14, _, _ =	vpop (xrf2)  }
0xb0: {  	v16 =	vsub.f32 v18, v20;
	v13 =	vsub.f32 v12, v13;
	v20 =	vperm.xlane v14, v0;
	_ =	sdelay $0x1  }
0xb1: {  	v2 =	vadd.f32 v13, v2;
	v13 =	vsub.f32 v20, v14  }
0xb2: {  	v12 =	vadd.f32 v11, v12  }
0xb3: {  	v4 =	vadd.f32 v4, v5;
	v10 =	vadd.f32 v16, v10;
	v19, _, _ =	vpop (xrf2)  }
0xb4: {  	v18 =	vadd.f32 v12, v18;
	v6 =	vadd.f32 v6, v5;
	v16 =	vperm.xlane v19, v0;
	v14, _, _ =	vpop (xrf2)  }
0xb5: {  	v2 =	vadd.f32 v11, v2;
	v8 =	vadd.f32 v13, v8;
	v13, _, _ =	vpop (xrf2)  }
0xb6: {  	[tilespmem:s24+$0xBF80] =	vst v17;
	v19 =	vsub.f32 v16, v19;
	v16 =	vadd.f32 v18, v16;
	v11 =	vperm.xlane v13, v0  }
0xb7: {  	[tilespmem:s24+$0xBF90] =	vst v15;
	v10 =	vadd.f32 v12, v10;
	v2 =	vadd.f32 v2, v5;
	v12 =	vperm.xlane v14, v0  }
0xb8: {  	[tilespmem:s24+$0xBFB0] =	vst v1;
	v17 =	vadd.f32 v16, v20;
	v11 =	vsub.f32 v11, v13  }
0xb9: {  	[tilespmem:s23+$0xBFF0] =	vst v4;
	v4 =	vadd.f32 v16, v8;
	v14 =	vsub.f32 v12, v14  }
0xba: {  	v1 =	vadd.f32 v17, v12;
	v9 =	vadd.f32 v11, v9  }
0xbb: {  	v8 =	vadd.f32 v10, v5;
	v7 =	vadd.f32 v14, v7  }
0xbc: {  	[tilespmem:s23+$0xBFE0] =	vst v6;
	v3 =	vadd.f32 v19, v3;
	v1 =	vadd.f32 v1, v9  }
0xbd: {  	[tilespmem:s23+$0xBFD0] =	vst v2;
	v4 =	vadd.f32 v4, v5;
	v2 =	vadd.f32 v17, v7  }
0xbe: {  	[tilespmem:s23+$0xBFC0] =	vst v8;
	v3 =	vadd.f32 v18, v3;
	v1 =	vadd.f32 v1, v5  }
0xbf: {  	[tilespmem:s23+$0xBFA0] =	vst v4;
	v2 =	vadd.f32 v2, v5  }
0xc0: {  	[tilespmem:s23+$0xBF80] =	vst v1;
	v1 =	vadd.f32 v3, v5  }
0xc1: {  	s22 =	sadd.s32 s3, s22;
	[tilespmem:s23+$0xBF90] =	vst v2  }
0xc2: {  	p0 =	seq.s32 s19, $0xF;
	s21 =	sadd.s32 s21, s22;
	[tilespmem:s23+$0xBFB0] =	vst v1  }
0xc3: {  	[hbm4b:s21+s9] =	stream.strided.scatter [tilespmem:s13], [sflag:$0x3], $0x4000, s10, s9, $0x38;
	[tilespmem:$0x10000] =	vst v63  }
0xc4: {  	p1 =	seq.s32 @!p0 s19, $0x0;
	s24 =	simm.s32 @!p0 $0x0;
	s21 =	sadd.s32 @!p0 $0x4, s25  }
0xc5: {  	s23 =	simm.s32 @!p0 $0x400;
	s22 =	sadd.s32 @!p0 s5, s21;
	s21 =	sshll.u32 @!p0 s21, $0x4  }
0xc6: {  	_ =	swait.ge [sflag:s14], $0x4000;
	s22 =	sshll.u32 @!p0 s22, $0xA;
	s21 =	sand.u32 @!p0 $0x40, s21  }
0xc7: {  	[sflag:s14] =	ssyncset.done $0x0;
	s22 =	sand.u32 @!p0 $0x3FE000, s22;
	s21 =	sadd.s32 @!p0 s1, s21  }
0xc8: {  	[sflag:s14] =	ssyncadd.s32 $0xFFFFC000;
	s21 =	sadd.s32 @!p0 s22, s21;
	s22 =	simm.s32 @!p0 $0x100  }
0xc9: {  	[tilespmem:s24], [sflag:$0x1] =	stream.strided.gather @!p0 [hbm4b:s21+s22], $0x4000, s23, s22, $0x38;
	[tilespmem:$0x10000] =	vst v63  }
0xca: {  	p0 =	por p0, !p1  }
0xcb: {  	_ =	swait.ge @p0 [sflag:s17], $0x4000  }
0xcc: {  	[sflag:s17] =	ssyncset.done @p0 $0x0  }
0xcd: {  	s21 =	simm.s32 $0x0;
	[sflag:s17] =	ssyncadd.s32 @p0 $0xFFFFC000  }
0xce: {  	v1 =	vld [tilespmem:s21+$0x7F60]  }
0xcf: {  	v2 =	vld [tilespmem:s21+$0x7F70];
	_ =	sdelay $0x3  }
0xd0: {  	(xrf2) =	vadd.scan.msk.f32 $0xffff, v1  }
0xd1: {  	(xrf2) =	vadd.scan.msk.f32 $0xffff, v2  }
0xd2: {  	v3 =	vld [tilespmem:s21+$0x7F50];
	_ =	sdelay $0x1  }
0xd3: {  	v5 =	vld [tilespmem:s21+$0x7F40]  }
0xd4: {  	v7 =	vld [tilespmem:s21+$0x7F20];
	_ =	sdelay $0x1  }
0xd5: {  	(xrf2) =	vadd.scan.msk.f32 $0xffff, v3;
	_ =	sdelay $0x1  }
0xd6: {  	v9 =	vld [tilespmem:s21+$0x7F30];
	(xrf2) =	vadd.scan.msk.f32 $0xffff, v5  }
0xd7: {  	v8 =	vld [tilespmem:s21+$0x7F10];
	(xrf2) =	vadd.scan.msk.f32 $0xffff, v7;
	v4, _, _ =	vpop (xrf2)  }
0xd8: {  	v10, _, _ =	vpop (xrf2);
	v12 =	vperm.xlane v4, v0  }
0xd9: {  	v11 =	vld [tilespmem:s21+$0x7F00];
	v13 =	vperm.xlane v10, v0  }
0xda: {  	v14 =	vsub.f32 v12, v4  }
0xdb: {  	(xrf2) =	vadd.scan.msk.f32 $0xffff, v9;
	v10 =	vsub.f32 v13, v10  }
0xdc: {  	s22 =	simm.s32 $0xFFFFFF00;
	(xrf2) =	vadd.scan.msk.f32 $0xffff, v8;
	v14 =	vadd.f32 v14, v1  }
0xdd: {  	v6 =	vld [tilespmem:s22+$0x7F60];
	v2 =	vadd.f32 v10, v2  }
0xde: {  	(xrf2) =	vadd.scan.msk.f32 $0xffff, v11;
	v15, _, _ =	vpop (xrf2);
	v4 =	vld [tilespmem:s22+$0x7F70];
	v1 =	vimm.f32 $0.0e+00;
	v10 =	vadd.f32 v14, v13  }
0xdf: {  	v19 =	vperm.xlane v15, v0;
	v12 =	vadd.f32 v13, v12;
	v13 =	vadd.f32 v2, v1  }
0xe0: {  	v16, _, _ =	vpop (xrf2);
	v10 =	vadd.f32 v10, v1  }
0xe1: {  	v17 =	vperm.xlane v16, v0;
	v15 =	vsub.f32 v19, v15;
	v2 =	vld [tilespmem:s22+$0x7F50];
	v14, _, _ =	vpop (xrf2);
	[tilespmem:s21+$0xFF70] =	vst v13  }
0xe2: {  	(xrf2) =	vadd.scan.msk.f32 $0xffff, v6;
	v21 =	vadd.f32 v12, v19;
	v19 =	vperm.xlane v14, v0;
	[tilespmem:s21+$0xFF60] =	vst v10  }
0xe3: {  	v16 =	vsub.f32 v17, v16;
	v3 =	vadd.f32 v15, v3;
	(xrf2) =	vadd.scan.msk.f32 $0xffff, v4;
	v10 =	vld [tilespmem:s22+$0x7F40]  }
0xe4: {  	v14 =	vsub.f32 v19, v14  }
0xe5: {  	v5 =	vadd.f32 v16, v5;
	v12 =	vadd.f32 v12, v3;
	v18, _, _ =	vpop (xrf2)  }
0xe6: {  	v13 =	vadd.f32 v21, v17;
	v20 =	vperm.xlane v18, v0;
	v22, _, _ =	vpop (xrf2);
	(xrf2) =	vadd.scan.msk.f32 $0xffff, v2;
	v14 =	vadd.f32 v14, v7;
	v7 =	vld [tilespmem:s22+$0x7F20]  }
0xe7: {  	v5 =	vadd.f32 v21, v5;
	v16 =	vperm.xlane v22, v0  }
0xe8: {  	v12 =	vadd.f32 v12, v1;
	v15, _, _ =	vpop (xrf2);
	v17 =	vadd.f32 v13, v20;
	(xrf2) =	vadd.scan.msk.f32 $0xffff, v10  }
0xe9: {  	v3 =	vld [tilespmem:s22+$0x7F30];
	v23 =	vsub.f32 v20, v18;
	v20 =	vperm.xlane v15, v0;
	v18 =	vsub.f32 v16, v22  }
0xea: {  	v5 =	vadd.f32 v5, v1;
	v22 =	vadd.f32 v17, v19  }
0xeb: {  	v24 =	vadd.f32 v18, v8;
	v18 =	vsub.f32 v20, v15;
	(xrf2) =	vadd.scan.msk.f32 $0xffff, v7  }
0xec: {  	v15, _, _ =	vpop (xrf2);
	v14 =	vadd.f32 v17, v14;
	v8 =	vld [tilespmem:s22+$0x7F10];
	v21 =	vadd.f32 v22, v16  }
0xed: {  	v19 =	vadd.f32 v23, v9;
	[tilespmem:s21+$0xFF50] =	vst v12;
	v17, _, _ =	vpop (xrf2);
	v11 =	vadd.f32 v18, v11;
	v18 =	vperm.xlane v15, v0  }
0xee: {  	v25 =	vadd.f32 v14, v1;
	v16 =	vperm.xlane v17, v0;
	v26 =	vadd.f32 v21, v20;
	(xrf2) =	vadd.scan.msk.f32 $0xffff, v3  }
0xef: {  	v9 =	vld [tilespmem:s22+$0x7F00];
	[tilespmem:s21+$0xFF40] =	vst v5;
	v20 =	vadd.f32 v22, v24;
	v21 =	vadd.f32 v21, v11  }
0xf0: {  	s25 =	simm.s32 $0xFFFFF800;
	s24 =	simm.s32 $0x0;
	s23 =	simm.s32 $0xFFFFFF00;
	[tilespmem:s21+$0xFF20] =	vst v25;
	v11 =	vimm.f32 $0.0e+00;
	v12 =	vadd.f32 v16, v18;
	v5 =	vadd.f32 v26, v1;
	v14, _, _ =	vpop (xrf2)  }
.LBB2_7:
0xf1: {  	s26 =	sshra.s32 s25, $0x2;
	p0 =	sne.s32 s25, $0xFFFF0400;
	s25 =	sadd.s32 $0xFFFFFC00, s25;
	v15 =	vsub.f32 v18, v15;
	(xrf2) =	vadd.scan.msk.f32 $0xffff, v8;
	v18 =	vadd.f32 v21, v11  }
0xf2: {  	v17 =	vsub.f32 v16, v17;
	v13 =	vadd.f32 v13, v19;
	v21 =	vld [tilespmem:s26+$0x7F60];
	v22, _, _ =	vpop (xrf2)  }
0xf3: {  	v6 =	vadd.f32 v15, v6;
	[tilespmem:s24+$0xFF00] =	vst v18;
	v15 =	vadd.f32 v20, v11  }
0xf4: {  	v17 =	vadd.f32 v17, v4;
	v13 =	vadd.f32 v13, v11;
	v11 =	vmovc v5;
	(xrf2) =	vadd.scan.msk.f32 $0xffff, v9  }
0xf5: {  	v4 =	vld [tilespmem:s26+$0x7F70];
	v18 =	vadd.f32 v6, v16;
	v16, _, _ =	vpop (xrf2);
	[tilespmem:s24+$0xFF10] =	vst v15  }
0xf6: {  	v19 =	vadd.f32 v17, v5;
	[tilespmem:s24+$0xFF30] =	vst v13;
	s24 =	smov.u32 s23;
	s23 =	smov.u32 s26  }
0xf7: {  	(xrf2) =	vadd.scan.msk.f32 $0xffff, v21;
	v13 =	vadd.f32 v18, v5;
	v6 =	vmov v21  }
0xf8: {  	v18 =	vperm.xlane v22, v0;
	v17 =	vld [tilespmem:s23+$0x7F50];
	[tilespmem:s24+$0xFF70] =	vst v19;
	v15, _, _ =	vpop (xrf2)  }
0xf9: {  	v24 =	vperm.xlane v14, v0;
	[tilespmem:s24+$0xFF60] =	vst v13  }
0xfa: {  	v20 =	vperm.xlane v15, v0;
	v13 =	vsub.f32 v18, v22;
	(xrf2) =	vadd.scan.msk.f32 $0xffff, v4  }
0xfb: {  	v26 =	vadd.f32 v12, v24;
	v14 =	vsub.f32 v24, v14;
	v22 =	vperm.xlane v16, v0;
	v21 =	vld [tilespmem:s23+$0x7F40];
	v19, _, _ =	vpop (xrf2)  }
0xfc: {  	v24 =	vsub.f32 v20, v15;
	v10 =	vadd.f32 v13, v10  }
0xfd: {  	v14 =	vadd.f32 v14, v2;
	v13 =	vadd.f32 v26, v18;
	v25 =	vperm.xlane v19, v0;
	(xrf2) =	vadd.scan.msk.f32 $0xffff, v17  }
0xfe: {  	v27 =	vsub.f32 v22, v16;
	v16 =	vadd.f32 v26, v10;
	v2 =	vmov v17;
	v18 =	vld [tilespmem:s23+$0x7F20];
	v23, _, _ =	vpop (xrf2)  }
0xff: {  	v17 =	vadd.f32 v13, v20;
	v26 =	vsub.f32 v25, v19  }
0x100: {  	v12 =	vadd.f32 v12, v14;
	v27 =	vadd.f32 v27, v7;
	v19 =	vperm.xlane v23, v0;
	(xrf2) =	vadd.scan.msk.f32 $0xffff, v21  }
0x101: {  	v20 =	vadd.f32 v17, v22;
	v22 =	vadd.f32 v26, v8;
	v10 =	vmov v21;
	v14 =	vld [tilespmem:s23+$0x7F30];
	v15, _, _ =	vpop (xrf2)  }
0x102: {  	v12 =	vadd.f32 v12, v5;
	v21 =	vsub.f32 v19, v23  }
0x103: {  	v23 =	vadd.f32 v20, v25;
	v25 =	vadd.f32 v17, v27;
	(xrf2) =	vadd.scan.msk.f32 $0xffff, v18;
	v7 =	vmov v18  }
.Ltmp2:
0x104: {  	v26 =	vadd.f32 v16, v5;
	v21 =	vadd.f32 v21, v9;
	v8 =	vld [tilespmem:s23+$0x7F10];
	v17, _, _ =	vpop (xrf2);
	(pc) =	sbr.rel @p0 .LBB2_7-.Ltmp2, $4  }
0x105: {  	v18 =	vperm.xlane v15, v0;
	v25 =	vadd.f32 v25, v5;
	v16 =	vperm.xlane v17, v0;
	[tilespmem:s24+$0xFF50] =	vst v12  }
0x106: {  	v27 =	vadd.f32 v23, v19;
	v19 =	vadd.f32 v24, v3;
	(xrf2) =	vadd.scan.msk.f32 $0xffff, v14;
	v3 =	vmov v14  }
0x107: {  	v21 =	vadd.f32 v23, v21;
	v9 =	vld [tilespmem:s23+$0x7F00];
	v12 =	vadd.f32 v16, v18;
	v14, _, _ =	vpop (xrf2);
	[tilespmem:s24+$0xFF40] =	vst v26  }
0x108: {  	v20 =	vadd.f32 v20, v22;
	v5 =	vadd.f32 v27, v5;
	[tilespmem:s24+$0xFF20] =	vst v25  }
0x109: {  	_ = 	snop  }
0x10a: {  	(xrf2) =	vadd.scan.msk.f32 $0xffff, v8;
	v15 =	vsub.f32 v18, v15  }
0x10b: {  	v17 =	vsub.f32 v16, v17  }
0x10c: {  	v13 =	vadd.f32 v13, v19;
	v6 =	vadd.f32 v15, v6;
	(xrf2) =	vadd.scan.msk.f32 $0xffff, v9  }
0x10d: {  	v4 =	vadd.f32 v17, v4;
	v17 =	vadd.f32 v20, v11;
	v20 =	vperm.xlane v14, v0  }
0x10e: {  	v18 =	vadd.f32 v21, v11;
	v11 =	vadd.f32 v13, v11  }
0x10f: {  	v15, _, _ =	vpop (xrf2);
	v6 =	vadd.f32 v6, v16;
	v14 =	vsub.f32 v20, v14  }
0x110: {  	v4 =	vadd.f32 v4, v5;
	v22 =	vadd.f32 v12, v20;
	v16, _, _ =	vpop (xrf2);
	v19 =	vperm.xlane v15, v0  }
0x111: {  	v6 =	vadd.f32 v6, v5;
	v20 =	vperm.xlane v16, v0;
	v2 =	vadd.f32 v14, v2;
	v13, _, _ =	vpop (xrf2)  }
0x112: {  	v15 =	vsub.f32 v19, v15;
	v19 =	vadd.f32 v22, v19;
	v21 =	vperm.xlane v13, v0  }
0x113: {  	v14 =	vsub.f32 v20, v16;
	v2 =	vadd.f32 v12, v2  }
0x114: {  	v10 =	vadd.f32 v15, v10;
	v23, _, _ =	vpop (xrf2);
	v13 =	vsub.f32 v21, v13  }
0x115: {  	[tilespmem:s24+$0xFF00] =	vst v18;
	v21 =	vadd.f32 v19, v21;
	v7 =	vadd.f32 v14, v7;
	v15 =	vperm.xlane v23, v0  }
0x116: {  	[tilespmem:s24+$0xFF10] =	vst v17;
	v2 =	vadd.f32 v2, v5;
	v10 =	vadd.f32 v22, v10;
	v16, _, _ =	vpop (xrf2)  }
0x117: {  	[tilespmem:s24+$0xFF30] =	vst v11;
	v12 =	vadd.f32 v21, v20;
	v22 =	vsub.f32 v15, v23;
	v23 =	vperm.xlane v16, v0  }
0x118: {  	[tilespmem:s23+$0xFF70] =	vst v4;
	v4 =	vadd.f32 v21, v7;
	v3 =	vadd.f32 v13, v3  }
0x119: {  	v7 =	vadd.f32 v10, v5;
	v14 =	vsub.f32 v23, v16  }
0x11a: {  	v11 =	vadd.f32 v12, v15;
	v8 =	vadd.f32 v22, v8  }
0x11b: {  	[tilespmem:s23+$0xFF60] =	vst v6;
	v3 =	vadd.f32 v19, v3;
	v9 =	vadd.f32 v14, v9  }
0x11c: {  	[tilespmem:s23+$0xFF50] =	vst v2;
	v4 =	vadd.f32 v4, v5;
	v2 =	vadd.f32 v12, v8  }
0x11d: {  	[tilespmem:s23+$0xFF40] =	vst v7;
	v3 =	vadd.f32 v3, v5;
	v6 =	vadd.f32 v11, v9  }
0x11e: {  	[tilespmem:s23+$0xFF20] =	vst v4;
	v2 =	vadd.f32 v2, v5  }
0x11f: {  	[tilespmem:s23+$0xFF30] =	vst v3;
	v6 =	vadd.f32 v6, v5  }
0x120: {  	[tilespmem:s23+$0xFF10] =	vst v2  }
0x121: {  	[tilespmem:s23+$0xFF00] =	vst v6  }
0x122: {  	v2 =	vld [tilespmem:s21+$0x7FE0]  }
0x123: {  	v3 =	vld [tilespmem:s21+$0x7FF0];
	_ =	sdelay $0x3  }
0x124: {  	(xrf2) =	vadd.scan.msk.f32 $0xffff, v2  }
0x125: {  	v5 =	vld [tilespmem:s21+$0x7FD0];
	(xrf2) =	vadd.scan.msk.f32 $0xffff, v3  }
0x126: {  	v7 =	vld [tilespmem:s21+$0x7FC0]  }
0x127: {  	v8 =	vld [tilespmem:s21+$0x7FA0]  }
0x128: {  	v9 =	vld [tilespmem:s21+$0x7FB0];
	_ =	sdelay $0x1  }
0x129: {  	(xrf2) =	vadd.scan.msk.f32 $0xffff, v5  }
0x12a: {  	(xrf2) =	vadd.scan.msk.f32 $0xffff, v7  }
0x12b: {  	v11 =	vld [tilespmem:s21+$0x7F90];
	(xrf2) =	vadd.scan.msk.f32 $0xffff, v8  }
0x12c: {  	(xrf2) =	vadd.scan.msk.f32 $0xffff, v9  }
0x12d: {  	v13 =	vld [tilespmem:s21+$0x7F80];
	v4, _, _ =	vpop (xrf2)  }
0x12e: {  	v10, _, _ =	vpop (xrf2);
	v12 =	vperm.xlane v4, v0  }
0x12f: {  	v6 =	vld [tilespmem:s22+$0x7FE0];
	v14 =	vperm.xlane v10, v0  }
0x130: {  	(xrf2) =	vadd.scan.msk.f32 $0xffff, v11;
	v15 =	vsub.f32 v12, v4  }
0x131: {  	v10 =	vsub.f32 v14, v10  }
0x132: {  	(xrf2) =	vadd.scan.msk.f32 $0xffff, v13;
	v2 =	vadd.f32 v15, v2  }
0x133: {  	v16, _, _ =	vpop (xrf2);
	v3 =	vadd.f32 v10, v3  }
0x134: {  	(xrf2) =	vadd.scan.msk.f32 $0xffff, v6;
	v4 =	vld [tilespmem:s22+$0x7FF0];
	v15, _, _ =	vpop (xrf2);
	v10 =	vadd.f32 v2, v14  }
0x135: {  	v17, _, _ =	vpop (xrf2);
	v18 =	vperm.xlane v15, v0;
	v3 =	vadd.f32 v3, v1  }
0x136: {  	v19 =	vperm.xlane v16, v0;
	v14 =	vadd.f32 v14, v12;
	v12, _, _ =	vpop (xrf2);
	v10 =	vadd.f32 v10, v1  }
0x137: {  	v2 =	vld [tilespmem:s22+$0x7FD0];
	v20 =	vperm.xlane v12, v0;
	v15 =	vsub.f32 v18, v15;
	[tilespmem:s21+$0xFFF0] =	vst v3  }
0x138: {  	v16 =	vsub.f32 v19, v16;
	v21 =	vadd.f32 v14, v19;
	v19 =	vperm.xlane v17, v0;
	[tilespmem:s21+$0xFFE0] =	vst v10  }
0x139: {  	(xrf2) =	vadd.scan.msk.f32 $0xffff, v4;
	v23 =	vsub.f32 v20, v12;
	v7 =	vadd.f32 v15, v7;
	v10 =	vld [tilespmem:s22+$0x7FC0]  }
0x13a: {  	v22, _, _ =	vpop (xrf2);
	v12 =	vadd.f32 v21, v18;
	v15 =	vsub.f32 v19, v17  }
0x13b: {  	v5 =	vadd.f32 v16, v5;
	v24 =	vperm.xlane v22, v0;
	v17 =	vadd.f32 v21, v7  }
0x13c: {  	(xrf2) =	vadd.scan.msk.f32 $0xffff, v2;
	v3, _, _ =	vpop (xrf2);
	v7 =	vadd.f32 v12, v20;
	v20 =	vadd.f32 v15, v8;
	v8 =	vld [tilespmem:s22+$0x7FA0]  }
0x13d: {  	v16 =	vsub.f32 v24, v22;
	v18 =	vperm.xlane v3, v0  }
0x13e: {  	v5 =	vadd.f32 v14, v5;
	v15, _, _ =	vpop (xrf2);
	(xrf2) =	vadd.scan.msk.f32 $0xffff, v10  }
0x13f: {  	v21 =	vadd.f32 v16, v11;
	v11 =	vsub.f32 v18, v3;
	v3 =	vld [tilespmem:s22+$0x7FB0]  }
0x140: {  	v19 =	vadd.f32 v7, v19  }
0x141: {  	v5 =	vadd.f32 v5, v1;
	v20 =	vadd.f32 v7, v20;
	(xrf2) =	vadd.scan.msk.f32 $0xffff, v8  }
0x142: {  	v7 =	vld [tilespmem:s22+$0x7F90];
	v13 =	vadd.f32 v11, v13;
	v22 =	vadd.f32 v19, v24  }
0x143: {  	v63 =	vadd.f32 v17, v1;
	[tilespmem:s21+$0xFFD0] =	vst v5;
	v17 =	vperm.xlane v15, v0;
	v16, _, _ =	vpop (xrf2);
	v25 =	vadd.f32 v20, v1  }
0x144: {  	v19 =	vadd.f32 v19, v21;
	v14 =	vperm.xlane v16, v0;
	v5 =	vadd.f32 v22, v18;
	(xrf2) =	vadd.scan.msk.f32 $0xffff, v3  }
0x145: {  	v18 =	vadd.f32 v23, v9;
	v9 =	vld [tilespmem:s22+$0x7F80];
	v20 =	vadd.f32 v22, v13;
	[tilespmem:s21+$0xFFC0] =	vst v63  }
0x146: {  	s23 =	simm.s32 $0xFFFFF800;
	[tilespmem:s21+$0xFFA0] =	vst v25;
	v11 =	vadd.f32 v14, v17;
	v13, _, _ =	vpop (xrf2);
	v5 =	vadd.f32 v5, v1  }
.LBB2_9:
0x147: {  	s24 =	sshra.s32 s23, $0x2;
	p0 =	sne.s32 s23, $0xFFFF0400;
	s23 =	sadd.s32 $0xFFFFFC00, s23;
	v15 =	vsub.f32 v17, v15;
	(xrf2) =	vadd.scan.msk.f32 $0xffff, v7;
	v17 =	vadd.f32 v20, v1  }
0x148: {  	v16 =	vsub.f32 v14, v16;
	v12 =	vadd.f32 v12, v18;
	v20 =	vld [tilespmem:s24+$0x7FE0];
	v21, _, _ =	vpop (xrf2)  }
0x149: {  	v6 =	vadd.f32 v15, v6;
	[tilespmem:s21+$0xFF80] =	vst v17;
	v15 =	vadd.f32 v19, v1  }
0x14a: {  	v16 =	vadd.f32 v16, v4;
	v12 =	vadd.f32 v12, v1;
	v1 =	vmovc v5;
	(xrf2) =	vadd.scan.msk.f32 $0xffff, v9  }
0x14b: {  	v4 =	vld [tilespmem:s24+$0x7FF0];
	v17 =	vadd.f32 v6, v14;
	v14, _, _ =	vpop (xrf2);
	[tilespmem:s21+$0xFF90] =	vst v15  }
0x14c: {  	v18 =	vadd.f32 v16, v5;
	[tilespmem:s21+$0xFFB0] =	vst v12;
	s21 =	smov.u32 s22;
	s22 =	smov.u32 s24  }
0x14d: {  	(xrf2) =	vadd.scan.msk.f32 $0xffff, v20;
	v12 =	vadd.f32 v17, v5;
	v6 =	vmov v20  }
0x14e: {  	v17 =	vperm.xlane v21, v0;
	v16 =	vld [tilespmem:s22+$0x7FD0];
	[tilespmem:s21+$0xFFF0] =	vst v18;
	v15, _, _ =	vpop (xrf2)  }
0x14f: {  	v23 =	vperm.xlane v13, v0;
	[tilespmem:s21+$0xFFE0] =	vst v12  }
0x150: {  	v19 =	vperm.xlane v15, v0;
	v12 =	vsub.f32 v17, v21;
	(xrf2) =	vadd.scan.msk.f32 $0xffff, v4  }
0x151: {  	v22 =	vadd.f32 v11, v23;
	v13 =	vsub.f32 v23, v13;
	v21 =	vperm.xlane v14, v0;
	v20 =	vld [tilespmem:s22+$0x7FC0];
	v18, _, _ =	vpop (xrf2)  }
0x152: {  	v23 =	vsub.f32 v19, v15;
	v10 =	vadd.f32 v12, v10  }
0x153: {  	v13 =	vadd.f32 v13, v2;
	v12 =	vadd.f32 v22, v17;
	v24 =	vperm.xlane v18, v0;
	(xrf2) =	vadd.scan.msk.f32 $0xffff, v16  }
0x154: {  	v14 =	vsub.f32 v21, v14;
	v22 =	vadd.f32 v22, v10;
	v2 =	vmov v16;
	v17 =	vld [tilespmem:s22+$0x7FA0];
	v25, _, _ =	vpop (xrf2)  }
0x155: {  	v16 =	vadd.f32 v12, v19;
	v26 =	vsub.f32 v24, v18  }
0x156: {  	v11 =	vadd.f32 v11, v13;
	v27 =	vadd.f32 v14, v8;
	v18 =	vperm.xlane v25, v0;
	(xrf2) =	vadd.scan.msk.f32 $0xffff, v20  }
0x157: {  	v19 =	vadd.f32 v16, v21;
	v21 =	vadd.f32 v26, v7;
	v10 =	vmov v20;
	v13 =	vld [tilespmem:s22+$0x7FB0];
	v15, _, _ =	vpop (xrf2)  }
0x158: {  	v11 =	vadd.f32 v11, v5;
	v14 =	vsub.f32 v18, v25  }
0x159: {  	v20 =	vadd.f32 v19, v24;
	v24 =	vadd.f32 v16, v27;
	(xrf2) =	vadd.scan.msk.f32 $0xffff, v17;
	v8 =	vmov v17  }
.Ltmp3:
0x15a: {  	v22 =	vadd.f32 v22, v5;
	v25 =	vadd.f32 v14, v9;
	v7 =	vld [tilespmem:s22+$0x7F90];
	v16, _, _ =	vpop (xrf2);
	(pc) =	sbr.rel @p0 .LBB2_9-.Ltmp3, $4  }
0x15b: {  	v17 =	vperm.xlane v15, v0;
	v24 =	vadd.f32 v24, v5;
	v14 =	vperm.xlane v16, v0;
	[tilespmem:s21+$0xFFD0] =	vst v11  }
0x15c: {  	v26 =	vadd.f32 v20, v18;
	v18 =	vadd.f32 v23, v3;
	(xrf2) =	vadd.scan.msk.f32 $0xffff, v13;
	v3 =	vmov v13  }
0x15d: {  	v20 =	vadd.f32 v20, v25;
	v9 =	vld [tilespmem:s22+$0x7F80];
	v11 =	vadd.f32 v14, v17;
	v13, _, _ =	vpop (xrf2);
	[tilespmem:s21+$0xFFC0] =	vst v22  }
0x15e: {  	v19 =	vadd.f32 v19, v21;
	v5 =	vadd.f32 v26, v5;
	[tilespmem:s21+$0xFFA0] =	vst v24  }
0x15f: {  	_ =	sdelay $0x1  }
0x160: {  	(xrf2) =	vadd.scan.msk.f32 $0xffff, v7  }
0x161: {  	(xrf2) =	vadd.scan.msk.f32 $0xffff, v9  }
0x162: {  	v15 =	vsub.f32 v17, v15;
	v44 =	vadd.f32 v20, v1  }
0x163: {  	v16 =	vsub.f32 v14, v16;
	v12 =	vadd.f32 v12, v18  }
0x164: {  	v48 =	vperm.xlane v13, v0;
	v45, _, _ =	vpop (xrf2);
	v46 =	vadd.f32 v19, v1;
	v6 =	vadd.f32 v15, v6  }
0x165: {  	v47 =	vperm.xlane v45, v0;
	v4 =	vadd.f32 v16, v4;
	v1 =	vadd.f32 v12, v1  }
0x166: {  	v13 =	vsub.f32 v48, v13;
	v12 =	vadd.f32 v11, v48  }
0x167: {  	v6 =	vadd.f32 v6, v14;
	v50 =	vsub.f32 v47, v45  }
0x168: {  	v49, _, _ =	vpop (xrf2);
	v4 =	vadd.f32 v4, v5;
	v2 =	vadd.f32 v13, v2  }
0x169: {  	v18 =	vadd.f32 v12, v47;
	v52 =	vperm.xlane v49, v0;
	v10 =	vadd.f32 v50, v10;
	v51, _, _ =	vpop (xrf2)  }
0x16a: {  	v2 =	vadd.f32 v11, v2;
	v6 =	vadd.f32 v6, v5;
	v53 =	vperm.xlane v51, v0;
	v55, _, _ =	vpop (xrf2)  }
0x16b: {  	v54 =	vsub.f32 v52, v49;
	v10 =	vadd.f32 v12, v10;
	v57, _, _ =	vpop (xrf2)  }
0x16c: {  	v2 =	vadd.f32 v2, v5;
	v16 =	vadd.f32 v18, v53;
	v58 =	vperm.xlane v57, v0  }
0x16d: {  	v8 =	vadd.f32 v54, v8;
	v19 =	vsub.f32 v53, v51;
	v56 =	vperm.xlane v55, v0  }
0x16e: {  	[tilespmem:s21+$0xFF80] =	vst v44;
	v59 =	vadd.f32 v16, v52;
	v11 =	vsub.f32 v58, v57  }
0x16f: {  	[tilespmem:s21+$0xFF90] =	vst v46;
	v63 =	vadd.f32 v10, v5;
	v14 =	vsub.f32 v56, v55  }
0x170: {  	[tilespmem:s21+$0xFFB0] =	vst v1;
	v1 =	vadd.f32 v59, v56;
	v61 =	vadd.f32 v11, v9  }
0x171: {  	[tilespmem:s22+$0xFFF0] =	vst v4;
	v62 =	vadd.f32 v16, v8;
	v60 =	vadd.f32 v14, v7  }
0x172: {  	[tilespmem:s22+$0xFFE0] =	vst v6;
	v3 =	vadd.f32 v19, v3;
	v1 =	vadd.f32 v1, v61  }
0x173: {  	s19 =	sadd.s32 $0x1, s19;
	[tilespmem:s22+$0xFFD0] =	vst v2;
	v4 =	vadd.f32 v62, v5;
	v2 =	vadd.f32 v59, v60  }
0x174: {  	p0 =	sne.s32 s19, $0x10;
	[tilespmem:s22+$0xFFC0] =	vst v63;
	v3 =	vadd.f32 v18, v3;
	v1 =	vadd.f32 v1, v5  }
.Ltmp4:
0x175: {  	[tilespmem:s22+$0xFFA0] =	vst v4;
	v2 =	vadd.f32 v2, v5;
	(pc) =	sbr.rel @p0 .LBB2_2-.Ltmp4, $4  }
0x176: {  	[tilespmem:s22+$0xFF80] =	vst v1;
	v1 =	vadd.f32 v3, v5  }
0x177: {  	[tilespmem:s22+$0xFF90] =	vst v2  }
0x178: {  	s20 =	sadd.s32 s3, s20;
	[tilespmem:s22+$0xFFB0] =	vst v1  }
0x179: {  	[hbm4b:s20+s9] =	stream.strided.scatter [tilespmem:s15], [sflag:$0x4], $0x4000, s10, s9, $0x38;
	[tilespmem:$0x10000] =	vst v63  }
0x17a: {  	s18 =	sadd.s32 $0x1, s18  }
0x17b: {  	_ =	swait.ge [sflag:s16], $0x4000;
	p0 =	sne.s32 s18, s8  }
.Ltmp5:
0x17c: {  	[sflag:s16] =	ssyncset.done $0x0;
	(pc) =	sbr.rel @p0 .LBB2_1-.Ltmp5, $4  }
0x17d: {  	[sflag:s16] =	ssyncadd.s32 $0xFFFFC000  }
0x17e: {  	_ =	swait.ge [sflag:s17], $0x4000  }
0x17f: {  	[sflag:s17] =	ssyncset.done $0x0  }
0x180: {  	[sflag:s17] =	ssyncadd.s32 $0xFFFFC000  }
0x181: {  	_ =	sfence.sel $0x180000  }
0x182: {  	[bflag:$0x0] =	sbarrier.arrive $0xFFFF  }
0x183: {  	p0 =	sne.s32 s2, $0x0;
	_ =	strace $0x90000047  }
0x184: {  	s0 =	sadd.s32 @!p0 $0x100000, s0;
	[bflag:$0x2] =	sbarrier.arrive $0xFFFF  }
0x185: {  	[sflag:s0] =	ssyncadd.tile.s32 @!p0 $0x1;
	_ =	shalt  }
.Lfunc_end2:
_tile_overlayer_lowered:
.L_overlay_start_2:
0x186: {  	(tag) =	ssettag $0x2  }
0x187: {  	s0 =	rddreg [dreg:$0x0];
	s2 =	stileid.u32  }
0x188: {  	s1 =	rddreg [dreg:$0x1];
	p0 =	sne.s32 s2, $0x0  }
0x189: {  	s3 =	rddreg [dreg:$0x2];
	[bflag:$0x3] =	sbarrier.arrive $0xFFFF;
	s2 =	simm.s32 @!p0 $0x1C05  }
0x18a: {  	[timem:s3], [sflag:s2] =	dma.local @!p0 [hbm:s0], s1  }
0x18b: {  	s0 =	simm.s32 @!p0 $0x5  }
0x18c: {  	_ =	swait.ge @!p0 [sflag:s0], s1  }
0x18d: {  	s1 =	ssub.s32 @!p0 $0x0, s1;
	[sflag:s0] =	ssyncset.done @!p0 $0x0  }
0x18e: {  	[sflag:s0] =	ssyncadd.s32 @!p0 s1  }
0x18f: {  	[bflag:$0x3] =	sbarrier.arrive $0xFFFF  }
0x190: {  	_ =	shalt  }

</sc_bundles>
